<compile_context>
chip_gen: v7x
topology: tpu7x:2x2x1
jax: 0.10.2.dev20260603
libtpu: 0.0.44.dev20260713+nightly
codegen_flags: <defaults>
</compile_context>

<pallas_src>
import functools

import jax
import jax.numpy as jnp
from jax import lax
from jax.experimental import pallas as pl
from jax.experimental.pallas import tpu as pltpu
from jax.experimental.pallas import tpu_sc as plsc

N = 10000
E = 320000
D = 128
ALPHA = 0.5

NPAD = 10240
MC = 512
TCHM = 40
NCHM = 16 * TCHM
EPAD = NCHM * MC
RPT = NPAD // 16

_mesh = plsc.VectorSubcoreMesh(core_axis_name="c", subcore_axis_name="s")


@functools.partial(
    pl.kernel,
    out_type=jax.ShapeDtypeStruct((2, NPAD, 16), jnp.float32),
    mesh=_mesh,
    scratch_types=[
        pltpu.VMEM((TCHM, MC), jnp.int32),
        pltpu.VMEM((MC, 16), jnp.float32),
        pltpu.VMEM_SHARED((NPAD, 16), jnp.float32),
        pltpu.SemaphoreType.DMA,
    ],
    compiler_params=pltpu.CompilerParams(use_tc_tiling_on_sc=False),
)
def _hist(sidx_hbm, dout_hbm, idx_v, fill_v, dacc, sem):
    c = lax.axis_index("c")
    s = lax.axis_index("s")

    def zrow(i, carry):
        fill_v[i, :] = jnp.zeros((16,), jnp.float32)
        return carry

    lax.fori_loop(0, MC, zrow, 0)
    pltpu.sync_copy(fill_v, dacc.at[pl.ds(s * RPT, MC)])
    pltpu.sync_copy(fill_v.at[pl.ds(0, RPT - MC)],
                    dacc.at[pl.ds(s * RPT + MC, RPT - MC)])

    def orow(i, carry):
        fill_v[i, :] = jnp.ones((16,), jnp.float32)
        return carry

    lax.fori_loop(0, MC, orow, 0)

    pltpu.sync_copy(sidx_hbm.at[c, pl.ds(s * TCHM, TCHM)], idx_v)
    plsc.subcore_barrier()

    K = 4

    def body(i, carry):
        pltpu.async_copy(fill_v, dacc.at[idx_v.at[i]], sem, add=True)

        @pl.when(i >= K - 1)
        def _():
            pltpu.make_async_copy(fill_v, dacc.at[idx_v.at[0]], sem).wait()

        return carry

    lax.fori_loop(0, TCHM, body, 0)
    for _ in range(K - 1):
        pltpu.make_async_copy(fill_v, dacc.at[idx_v.at[0]], sem).wait()
    plsc.subcore_barrier()
    pltpu.sync_copy(dacc.at[pl.ds(s * RPT, RPT)],
                    dout_hbm.at[c, pl.ds(s * RPT, RPT)])


_BLK = 1024


def _scale_body(dp_ref, x_ref, inv_ref, t_ref):
    dp = dp_ref[...]
    x = x_ref[...]
    deg = jnp.sum(dp, axis=-1) * (1.0 / 16.0)
    inv = jnp.where(deg > 0, lax.rsqrt(jnp.maximum(deg, 1.0)), 0.0)
    inv_ref[...] = inv
    t_ref[0] = inv[1][:, None] * x
    t_ref[1] = inv[0][:, None] * x


_scale = pl.pallas_call(
    _scale_body,
    grid=(NPAD // _BLK,),
    in_specs=[
        pl.BlockSpec((2, _BLK, 16), lambda i: (0, i, 0)),
        pl.BlockSpec((_BLK, D), lambda i: (i, 0)),
    ],
    out_specs=[
        pl.BlockSpec((2, _BLK), lambda i: (0, i)),
        pl.BlockSpec((2, _BLK, D), lambda i: (0, i, 0)),
    ],
    out_shape=[
        jax.ShapeDtypeStruct((2, NPAD), jnp.float32),
        jax.ShapeDtypeStruct((2, NPAD, D), jnp.float32),
    ],
)


DH = D // 2
MCS = 160
TCHS = EPAD // (16 * MCS)
NCHS = 16 * TCHS


@functools.partial(
    pl.kernel,
    out_type=jax.ShapeDtypeStruct((2, 2, NPAD, DH), jnp.float32),
    mesh=_mesh,
    scratch_types=[
        pltpu.VMEM((TCHS, MCS), jnp.int32),
        pltpu.VMEM((TCHS, MCS), jnp.int32),
        [pltpu.VMEM((MCS, DH), jnp.float32)] * 4,
        pltpu.VMEM_SHARED((NPAD, DH), jnp.float32),
        [pltpu.SemaphoreType.DMA] * 4,
        [pltpu.SemaphoreType.DMA] * 4,
    ],
    compiler_params=pltpu.CompilerParams(use_tc_tiling_on_sc=False),
)
def _scat(tab_hbm, gidx_hbm, sidx_hbm, out_hbm,
          gidx_v, sidx_v, bufs, acc, gsems, ssems):
    c = lax.axis_index("c")
    s = lax.axis_index("s")

    pltpu.sync_copy(gidx_hbm.at[c, pl.ds(s * TCHS, TCHS)], gidx_v)
    pltpu.sync_copy(sidx_hbm.at[c, pl.ds(s * TCHS, TCHS)], sidx_v)

    NB = 4

    for h in range(2):
        def zrow(i, carry):
            for k in range(DH // 16):
                bufs[0][i, pl.ds(k * 16, 16)] = jnp.zeros((16,), jnp.float32)
            return carry

        lax.fori_loop(0, MCS, zrow, 0)
        for j in range(RPT // MCS + (1 if RPT % MCS else 0)):
            w = min(MCS, RPT - j * MCS)
            pltpu.sync_copy(bufs[0].at[pl.ds(0, w)],
                            acc.at[pl.ds(s * RPT + j * MCS, w)])
        if h == 1:
            def bump(i, carry):
                for k in range(MCS // 16):
                    sl = pl.ds(k * 16, 16)
                    gidx_v[i, sl] = gidx_v[i, sl] + 1
                return carry

            lax.fori_loop(0, TCHS, bump, 0)
        plsc.subcore_barrier()

        def grp(g, carry):
            i0 = NB * g
            for b in range(NB):
                @pl.when(g > 0)
                def _(b=b):
                    pltpu.make_async_copy(
                        bufs[b], acc.at[sidx_v.at[0]], ssems[b]).wait()

                pltpu.async_copy(tab_hbm.at[gidx_v.at[i0 + b]],
                                 bufs[b], gsems[b])
            for b in range(NB):
                pltpu.make_async_copy(tab_hbm.at[gidx_v.at[i0 + b]],
                                      bufs[b], gsems[b]).wait()
                pltpu.async_copy(bufs[b], acc.at[sidx_v.at[i0 + b]],
                                 ssems[b], add=True)
            return carry

        lax.fori_loop(0, TCHS // NB, grp, 0)
        for b in range(NB):
            pltpu.make_async_copy(bufs[b], acc.at[sidx_v.at[0]],
                                  ssems[b]).wait()
        plsc.subcore_barrier()
        pltpu.sync_copy(acc.at[pl.ds(s * RPT, RPT)],
                        out_hbm.at[c, h, pl.ds(s * RPT, RPT)])


def _out_body(s_ref, inv_ref, ws_ref, wd_ref, bs_ref, bd_ref, o_ref):
    s0 = lax.concatenate([s_ref[0, 0], s_ref[0, 1]], 1)
    s1 = lax.concatenate([s_ref[1, 0], s_ref[1, 1]], 1)
    inv = inv_ref[...]
    y0 = lax.dot_general(s0, ws_ref[...], (((1,), (1,)), ((), ())),
                         preferred_element_type=jnp.float32)
    y1 = lax.dot_general(s1, wd_ref[...], (((1,), (1,)), ((), ())),
                         preferred_element_type=jnp.float32)
    o_ref[...] = (ALPHA * inv[0][:, None] * y0
                  + (1.0 - ALPHA) * inv[1][:, None] * y1
                  + ALPHA * bs_ref[...] + (1.0 - ALPHA) * bd_ref[...])


_outk = pl.pallas_call(
    _out_body,
    grid=(NPAD // _BLK,),
    in_specs=[
        pl.BlockSpec((2, 2, _BLK, DH), lambda i: (0, 0, i, 0)),
        pl.BlockSpec((2, _BLK), lambda i: (0, i)),
        pl.BlockSpec((D, D), lambda i: (0, 0)),
        pl.BlockSpec((D, D), lambda i: (0, 0)),
        pl.BlockSpec((1, D), lambda i: (0, 0)),
        pl.BlockSpec((1, D), lambda i: (0, 0)),
    ],
    out_specs=pl.BlockSpec((_BLK, D), lambda i: (i, 0)),
    out_shape=jax.ShapeDtypeStruct((NPAD, D), jnp.float32),
)


def kernel(x, edge_index, W_src, b_src, W_dst, b_dst):
    x_pad = jnp.pad(x, ((0, NPAD - N), (0, 0)))
    npad_e = EPAD - E
    sidx_flat = jnp.pad(edge_index, ((0, 0), (0, npad_e)),
                        constant_values=NPAD - 1)
    gsrc = jnp.pad(edge_index[::-1], ((0, 0), (0, npad_e)))
    gidx_flat = 2 * (gsrc + jnp.array([[0], [NPAD]], jnp.int32))
    sidx3 = sidx_flat.reshape(2, NCHS, MCS)
    gidx3 = gidx_flat.reshape(2, NCHS, MCS)
    dpart = _hist(sidx_flat.reshape(2, NCHM, MC))
    inv, t = _scale(dpart, x_pad)
    tab = t.reshape(4 * NPAD, DH)
    svals = _scat(tab, gidx3, sidx3)
    out = _outk(svals, inv, W_src, W_dst,
                b_src.reshape(1, D), b_dst.reshape(1, D))
    return out[:N]

# --- scband reference (transcript-rebuilt; emitter-appended) ---
"""Pipeline reference for scband-dir-gcnconv-19439021982025 (READ-ONLY COPY).

The authoritative reference and input builder live on the scoring server;
editing this copy changes nothing except your own understanding.
"""

import jax, jax.numpy as jnp
import numpy as np

N = 10000
E = 320000
D_IN = 128
D_OUT = 128
ALPHA = 0.5


def setup_inputs(seed: int = 0) -> dict:
    key = jax.random.key(seed)
    ks = jax.random.split(key, 6)
    x = jax.random.normal(ks[0], (N, D_IN), dtype=jnp.float32)
    edge_index = jax.random.randint(ks[1], (2, E), 0, N, dtype=jnp.int32)
    W_src = jax.random.normal(ks[2], (D_OUT, D_IN), dtype=jnp.float32) / np.sqrt(D_IN)
    b_src = jnp.zeros((D_OUT,), dtype=jnp.float32)
    W_dst = jax.random.normal(ks[3], (D_OUT, D_IN), dtype=jnp.float32) / np.sqrt(D_IN)
    b_dst = jnp.zeros((D_OUT,), dtype=jnp.float32)
    return {"x": x, "edge_index": edge_index, "W_src": W_src, "b_src": b_src, "W_dst": W_dst, "b_dst": b_dst}


def reference(x, edge_index, W_src, b_src, W_dst, b_dst):
    num_nodes = x.shape[0]
    row = edge_index[0]
    col = edge_index[1]
    ones = jnp.ones(row.shape[0], dtype=x.dtype)
    # directed norm: D_out^{-1/2} A D_in^{-1/2}, zero-degree -> 0
    out_deg = jnp.zeros(num_nodes, dtype=x.dtype).at[row].add(ones)
    in_deg = jnp.zeros(num_nodes, dtype=x.dtype).at[col].add(ones)
    out_inv = jnp.where(out_deg > 0, 1.0 / jnp.sqrt(out_deg), 0.0)
    in_inv = jnp.where(in_deg > 0, 1.0 / jnp.sqrt(in_deg), 0.0)
    w = out_inv[row] * in_inv[col]
    # adj_norm @ x : out[row_e] += w_e * x[col_e]
    agg_fwd = jnp.zeros((num_nodes, x.shape[1]), dtype=x.dtype).at[row].add(w[:, None] * x[col])
    # adj_t_norm @ x : directed norm of A^T has identical edge weights (degrees swap roles)
    agg_rev = jnp.zeros((num_nodes, x.shape[1]), dtype=x.dtype).at[col].add(w[:, None] * x[row])
    return ALPHA * (agg_fwd @ W_src.T + b_src) + (1.0 - ALPHA) * (agg_rev @ W_dst.T + b_dst)

if __name__ == "__main__":
    import jax
    _d = setup_inputs()
    print(jax.jit(kernel)(*tuple(_d.values())))

</pallas_src>

<mosaic_0001>
#map = affine_map<(d0, d1) -> (0, 0, 0)>
module attributes {stable_mosaic.version = 14 : i64} {
  func.func @_hist(%arg0: i32, %arg1: i32, %arg2: memref<2x640x512xi32, #tpu.memory_space<hbm>>, %arg3: memref<2x10240x16xf32, #tpu.memory_space<hbm>>, %arg4: memref<40x512xi32, #tpu.memory_space<vmem>>, %arg5: memref<512x16xf32, #tpu.memory_space<vmem>>, %arg6: memref<10240x16xf32, #tpu.memory_space<vmem_shared>>, %arg7: memref<!tpu.dma_semaphore, #tpu.memory_space<semaphore_mem>>) attributes {dimension_semantics = [#tpu.dimension_semantics<core_parallel>, #tpu.dimension_semantics<subcore_parallel>], iteration_bounds = array<i64: 2, 16>, scalar_prefetch = 0 : i64, scratch_operands = 4 : i64, tpu.core_type = #tpu.core_type<sc_vector_subcore>, window_params = [{transform_indices = #map}, {transform_indices = #map}]} {
    %scan3A = arith.constant 0 : i32
    %scan3A_0 = arith.constant 0 : i32
    %scan3A_1 = arith.constant 512 : i32
    %scan3A_2 = arith.addi %scan3A_0, %scan3A_1 : i32
    %scan3A_3 = arith.constant 1 : i32
    scf.for %scan3A_48 = %scan3A_0 to %scan3A_2 step %scan3A_3  : i32 {
      %broadcast_in_dim3A = arith.constant 0.000000e+00 : f32
      %broadcast_in_dim3A_49 = vector.broadcast %broadcast_in_dim3A : f32 to vector<16xf32>
      %swap3A = arith.index_cast %scan3A_48 : i32 to index
      %swap3A_50 = arith.constant 0 : index
      %swap3A_51 = tpu.vector_load %arg5[%swap3A, %swap3A_50] {strides = array<i32>} : memref<512x16xf32, #tpu.memory_space<vmem>>, vector<1x16xf32>,
      %swap3A_52 = vector.shape_cast %swap3A_51 : vector<1x16xf32> to vector<16xf32>
      %swap3A_53 = vector.shape_cast %broadcast_in_dim3A_49 : vector<16xf32> to vector<1x16xf32>
      tpu.vector_store %arg5[%swap3A, %swap3A_50], %swap3A_53 {strides = array<i32>} : memref<512x16xf32, #tpu.memory_space<vmem>>, vector<1x16xf32>,
    }
    %scan3A_4 = arith.constant 512 : i32
    %mul3A = arith.constant 640 : i32
    %mul3A_5 = arith.muli %arg1, %mul3A : i32
    "tpu.region"() ({
      %run_scoped3A = tpu.sem_alloc : memref<!tpu.dma_semaphore, #tpu.memory_space<semaphore_mem>>
      %dma_start3A = arith.constant 0 : i32
      %dma_start3A_48 = tpu.memref_slice %arg6[%mul3A_5, %dma_start3A] : memref<10240x16xf32, #tpu.memory_space<vmem_shared>> -> memref<512x16xf32, #tpu.memory_space<vmem_shared>>
      %dma_start3A_49 = arith.constant 0 : i32
      %dma_start3A_50 = tpu.memref_slice %arg6[%mul3A_5, %dma_start3A_49] : memref<10240x16xf32, #tpu.memory_space<vmem_shared>> -> memref<512x16xf32, #tpu.memory_space<vmem_shared>>
      tpu.enqueue_dma source(%arg5 : memref<512x16xf32, #tpu.memory_space<vmem>>) target(%dma_start3A_50 : memref<512x16xf32, #tpu.memory_space<vmem_shared>>) target_semaphore(%run_scoped3A : memref<!tpu.dma_semaphore, #tpu.memory_space<semaphore_mem>>)
      %dma_wait3A_51 = arith.constant 0 : i32
      %dma_wait3A_52 = tpu.memref_slice %arg6[%mul3A_5, %dma_wait3A_51] : memref<10240x16xf32, #tpu.memory_space<vmem_shared>> -> memref<512x16xf32, #tpu.memory_space<vmem_shared>>
      %dma_wait3A_53 = arith.constant 0 : i32
      %dma_wait3A_54 = tpu.memref_slice %arg6[%mul3A_5, %dma_wait3A_53] : memref<10240x16xf32, #tpu.memory_space<vmem_shared>> -> memref<512x16xf32, #tpu.memory_space<vmem_shared>>
      tpu.wait_dma2 semaphore(%run_scoped3A : memref<!tpu.dma_semaphore, #tpu.memory_space<semaphore_mem>>) src(%arg5 : memref<512x16xf32, #tpu.memory_space<vmem>>) dst(%dma_wait3A_54 : memref<512x16xf32, #tpu.memory_space<vmem_shared>>)
      tpu.yield
    }) : () -> ()
    %mul3A_6 = arith.constant 640 : i32
    %mul3A_7 = arith.muli %arg1, %mul3A_6 : i32
    %add3A = arith.constant 512 : i32
    %add3A_8 = arith.addi %mul3A_7, %add3A : i32
    "tpu.region"() ({
      %run_scoped3A = tpu.sem_alloc : memref<!tpu.dma_semaphore, #tpu.memory_space<semaphore_mem>>
      %dma_start3A = arith.constant 0 : i32
      %dma_start3A_48 = arith.constant 0 : i32
      %dma_start3A_49 = tpu.memref_slice %arg5[%dma_start3A, %dma_start3A_48] : memref<512x16xf32, #tpu.memory_space<vmem>> -> memref<128x16xf32, #tpu.memory_space<vmem>>
      %dma_start3A_50 = arith.constant 0 : i32
      %dma_start3A_51 = tpu.memref_slice %arg6[%add3A_8, %dma_start3A_50] : memref<10240x16xf32, #tpu.memory_space<vmem_shared>> -> memref<128x16xf32, #tpu.memory_space<vmem_shared>>
      %dma_start3A_52 = arith.constant 0 : i32
      %dma_start3A_53 = tpu.memref_slice %arg6[%add3A_8, %dma_start3A_52] : memref<10240x16xf32, #tpu.memory_space<vmem_shared>> -> memref<128x16xf32, #tpu.memory_space<vmem_shared>>
      %dma_start3A_54 = arith.constant 0 : i32
      %dma_start3A_55 = arith.constant 0 : i32
      %dma_start3A_56 = tpu.memref_slice %arg5[%dma_start3A_54, %dma_start3A_55] : memref<512x16xf32, #tpu.memory_space<vmem>> -> memref<128x16xf32, #tpu.memory_space<vmem>>
      tpu.enqueue_dma source(%dma_start3A_56 : memref<128x16xf32, #tpu.memory_space<vmem>>) target(%dma_start3A_53 : memref<128x16xf32, #tpu.memory_space<vmem_shared>>) target_semaphore(%run_scoped3A : memref<!tpu.dma_semaphore, #tpu.memory_space<semaphore_mem>>)
      %dma_wait3A_57 = arith.constant 0 : i32
      %dma_wait3A_58 = arith.constant 0 : i32
      %dma_wait3A_59 = tpu.memref_slice %arg5[%dma_wait3A_57, %dma_wait3A_58] : memref<512x16xf32, #tpu.memory_space<vmem>> -> memref<128x16xf32, #tpu.memory_space<vmem>>
      %dma_wait3A_60 = arith.constant 0 : i32
      %dma_wait3A_61 = tpu.memref_slice %arg6[%add3A_8, %dma_wait3A_60] : memref<10240x16xf32, #tpu.memory_space<vmem_shared>> -> memref<128x16xf32, #tpu.memory_space<vmem_shared>>
      %dma_wait3A_62 = arith.constant 0 : i32
      %dma_wait3A_63 = tpu.memref_slice %arg6[%add3A_8, %dma_wait3A_62] : memref<10240x16xf32, #tpu.memory_space<vmem_shared>> -> memref<128x16xf32, #tpu.memory_space<vmem_shared>>
      %dma_wait3A_64 = arith.constant 0 : i32
      %dma_wait3A_65 = arith.constant 0 : i32
      %dma_wait3A_66 = tpu.memref_slice %arg5[%dma_wait3A_64, %dma_wait3A_65] : memref<512x16xf32, #tpu.memory_space<vmem>> -> memref<128x16xf32, #tpu.memory_space<vmem>>
      tpu.wait_dma2 semaphore(%run_scoped3A : memref<!tpu.dma_semaphore, #tpu.memory_space<semaphore_mem>>) src(%dma_wait3A_66 : memref<128x16xf32, #tpu.memory_space<vmem>>) dst(%dma_wait3A_63 : memref<128x16xf32, #tpu.memory_space<vmem_shared>>)
      tpu.yield
    }) : () -> ()
    %scan3A_9 = arith.constant 0 : i32
    %scan3A_10 = arith.constant 0 : i32
    %scan3A_11 = arith.constant 512 : i32
    %scan3A_12 = arith.addi %scan3A_10, %scan3A_11 : i32
    %scan3A_13 = arith.constant 1 : i32
    scf.for %scan3A_48 = %scan3A_10 to %scan3A_12 step %scan3A_13  : i32 {
      %broadcast_in_dim3A = arith.constant 1.000000e+00 : f32
      %broadcast_in_dim3A_49 = vector.broadcast %broadcast_in_dim3A : f32 to vector<16xf32>
      %swap3A = arith.index_cast %scan3A_48 : i32 to index
      %swap3A_50 = arith.constant 0 : index
      %swap3A_51 = tpu.vector_load %arg5[%swap3A, %swap3A_50] {strides = array<i32>} : memref<512x16xf32, #tpu.memory_space<vmem>>, vector<1x16xf32>,
      %swap3A_52 = vector.shape_cast %swap3A_51 : vector<1x16xf32> to vector<16xf32>
      %swap3A_53 = vector.shape_cast %broadcast_in_dim3A_49 : vector<16xf32> to vector<1x16xf32>
      tpu.vector_store %arg5[%swap3A, %swap3A_50], %swap3A_53 {strides = array<i32>} : memref<512x16xf32, #tpu.memory_space<vmem>>, vector<1x16xf32>,
    }
    %scan3A_14 = arith.constant 512 : i32
    %mul3A_15 = arith.constant 40 : i32
    %mul3A_16 = arith.muli %arg1, %mul3A_15 : i32
    "tpu.region"() ({
      %run_scoped3A = tpu.sem_alloc : memref<!tpu.dma_semaphore, #tpu.memory_space<semaphore_mem>>
      %dma_start3A = arith.constant 0 : i32
      %dma_start3A_48 = tpu.memref_slice %arg2[%arg0, %mul3A_16, %dma_start3A] : memref<2x640x512xi32, #tpu.memory_space<hbm>> -> memref<1x40x512xi32, #tpu.memory_space<hbm>>
      %dma_start3A_49 = tpu.memref_squeeze %dma_start3A_48 : memref<1x40x512xi32, #tpu.memory_space<hbm>> -> memref<40x512xi32, #tpu.memory_space<hbm>>
      %dma_start3A_50 = arith.constant 0 : i32
      %dma_start3A_51 = tpu.memref_slice %arg2[%arg0, %mul3A_16, %dma_start3A_50] : memref<2x640x512xi32, #tpu.memory_space<hbm>> -> memref<1x40x512xi32, #tpu.memory_space<hbm>>
      %dma_start3A_52 = tpu.memref_squeeze %dma_start3A_51 : memref<1x40x512xi32, #tpu.memory_space<hbm>> -> memref<40x512xi32, #tpu.memory_space<hbm>>
      tpu.enqueue_dma source(%dma_start3A_52 : memref<40x512xi32, #tpu.memory_space<hbm>>) target(%arg4 : memref<40x512xi32, #tpu.memory_space<vmem>>) target_semaphore(%run_scoped3A : memref<!tpu.dma_semaphore, #tpu.memory_space<semaphore_mem>>)
      %dma_wait3A_53 = arith.constant 0 : i32
      %dma_wait3A_54 = tpu.memref_slice %arg2[%arg0, %mul3A_16, %dma_wait3A_53] : memref<2x640x512xi32, #tpu.memory_space<hbm>> -> memref<1x40x512xi32, #tpu.memory_space<hbm>>
      %dma_wait3A_55 = tpu.memref_squeeze %dma_wait3A_54 : memref<1x40x512xi32, #tpu.memory_space<hbm>> -> memref<40x512xi32, #tpu.memory_space<hbm>>
      %dma_wait3A_56 = arith.constant 0 : i32
      %dma_wait3A_57 = tpu.memref_slice %arg2[%arg0, %mul3A_16, %dma_wait3A_56] : memref<2x640x512xi32, #tpu.memory_space<hbm>> -> memref<1x40x512xi32, #tpu.memory_space<hbm>>
      %dma_wait3A_58 = tpu.memref_squeeze %dma_wait3A_57 : memref<1x40x512xi32, #tpu.memory_space<hbm>> -> memref<40x512xi32, #tpu.memory_space<hbm>>
      tpu.wait_dma2 semaphore(%run_scoped3A : memref<!tpu.dma_semaphore, #tpu.memory_space<semaphore_mem>>) src(%dma_wait3A_58 : memref<40x512xi32, #tpu.memory_space<hbm>>) dst(%arg4 : memref<40x512xi32, #tpu.memory_space<vmem>>)
      tpu.yield
    }) : () -> ()
    %barrier3A = arith.constant 0 : index
    tpu.barrier barrier_id(%barrier3A)
    %scan3A_17 = arith.constant 0 : i32
    %scan3A_18 = arith.constant 0 : i32
    %scan3A_19 = arith.constant 40 : i32
    %scan3A_20 = arith.addi %scan3A_18, %scan3A_19 : i32
    %scan3A_21 = arith.constant 1 : i32
    scf.for %scan3A_48 = %scan3A_18 to %scan3A_20 step %scan3A_21  : i32 {
      %dma_start3A = arith.constant 0 : i32
      %dma_start3A_49 = tpu.memref_slice %arg4[%scan3A_48, %dma_start3A] : memref<40x512xi32, #tpu.memory_space<vmem>> -> memref<1x512xi32, #tpu.memory_space<vmem>>
      %dma_start3A_50 = tpu.memref_squeeze %dma_start3A_49 : memref<1x512xi32, #tpu.memory_space<vmem>> -> memref<512xi32, #tpu.memory_space<vmem>>
      %dma_start3A_51 = arith.constant 0 : i32
      %dma_start3A_52 = arith.constant 0 : i32
      %dma_start3A_53 = tpu.memref_slice %arg6[%dma_start3A_51, %dma_start3A_52] : memref<10240x16xf32, #tpu.memory_space<vmem_shared>> -> memref<10240x16xf32, #tpu.memory_space<vmem_shared>>
      tpu.enqueue_indirect_dma source(%arg5 : memref<512x16xf32, #tpu.memory_space<vmem>>) target(%dma_start3A_53 : memref<10240x16xf32, #tpu.memory_space<vmem_shared>>) offsets(%dma_start3A_50 : memref<512xi32, #tpu.memory_space<vmem>>) semaphore(%arg7 : memref<!tpu.dma_semaphore, #tpu.memory_space<semaphore_mem>>) {add = true}
      %ge3A = arith.constant 3 : i32
      %ge3A_54 = arith.cmpi sge, %scan3A_48, %ge3A : i32
      %convert_element_type3A = arith.extui %ge3A_54 : i1 to i32
      %cond3A = arith.constant 0 : i32
      %cond3A_55 = arith.cmpi ne, %convert_element_type3A, %cond3A : i32
      scf.if %cond3A_55 {
        %dma_wait3A_56 = arith.constant 0 : i32
        %dma_wait3A_57 = arith.constant 0 : i32
        %dma_wait3A_58 = tpu.memref_slice %arg4[%dma_wait3A_56, %dma_wait3A_57] : memref<40x512xi32, #tpu.memory_space<vmem>> -> memref<1x512xi32, #tpu.memory_space<vmem>>
        %dma_wait3A_59 = tpu.memref_squeeze %dma_wait3A_58 : memref<1x512xi32, #tpu.memory_space<vmem>> -> memref<512xi32, #tpu.memory_space<vmem>>
        %dma_wait3A_60 = arith.constant 0 : i32
        %dma_wait3A_61 = arith.constant 0 : i32
        %dma_wait3A_62 = tpu.memref_slice %arg6[%dma_wait3A_60, %dma_wait3A_61] : memref<10240x16xf32, #tpu.memory_space<vmem_shared>> -> memref<10240x16xf32, #tpu.memory_space<vmem_shared>>
        tpu.wait_indirect_dma semaphore(%arg7 : memref<!tpu.dma_semaphore, #tpu.memory_space<semaphore_mem>>) src(%arg5 : memref<512x16xf32, #tpu.memory_space<vmem>>) dst(%dma_wait3A_62 : memref<10240x16xf32, #tpu.memory_space<vmem_shared>>)
      } else {
      }
    }
    %scan3A_22 = arith.constant 40 : i32
    %dma_wait3A = arith.constant 0 : i32
    %dma_wait3A_23 = arith.constant 0 : i32
    %dma_wait3A_24 = tpu.memref_slice %arg4[%dma_wait3A, %dma_wait3A_23] : memref<40x512xi32, #tpu.memory_space<vmem>> -> memref<1x512xi32, #tpu.memory_space<vmem>>
    %dma_wait3A_25 = tpu.memref_squeeze %dma_wait3A_24 : memref<1x512xi32, #tpu.memory_space<vmem>> -> memref<512xi32, #tpu.memory_space<vmem>>
    %dma_wait3A_26 = arith.constant 0 : i32
    %dma_wait3A_27 = arith.constant 0 : i32
    %dma_wait3A_28 = tpu.memref_slice %arg6[%dma_wait3A_26, %dma_wait3A_27] : memref<10240x16xf32, #tpu.memory_space<vmem_shared>> -> memref<10240x16xf32, #tpu.memory_space<vmem_shared>>
    tpu.wait_indirect_dma semaphore(%arg7 : memref<!tpu.dma_semaphore, #tpu.memory_space<semaphore_mem>>) src(%arg5 : memref<512x16xf32, #tpu.memory_space<vmem>>) dst(%dma_wait3A_28 : memref<10240x16xf32, #tpu.memory_space<vmem_shared>>)
    %dma_wait3A_29 = arith.constant 0 : i32
    %dma_wait3A_30 = arith.constant 0 : i32
    %dma_wait3A_31 = tpu.memref_slice %arg4[%dma_wait3A_29, %dma_wait3A_30] : memref<40x512xi32, #tpu.memory_space<vmem>> -> memref<1x512xi32, #tpu.memory_space<vmem>>
    %dma_wait3A_32 = tpu.memref_squeeze %dma_wait3A_31 : memref<1x512xi32, #tpu.memory_space<vmem>> -> memref<512xi32, #tpu.memory_space<vmem>>
    %dma_wait3A_33 = arith.constant 0 : i32
    %dma_wait3A_34 = arith.constant 0 : i32
    %dma_wait3A_35 = tpu.memref_slice %arg6[%dma_wait3A_33, %dma_wait3A_34] : memref<10240x16xf32, #tpu.memory_space<vmem_shared>> -> memref<10240x16xf32, #tpu.memory_space<vmem_shared>>
    tpu.wait_indirect_dma semaphore(%arg7 : memref<!tpu.dma_semaphore, #tpu.memory_space<semaphore_mem>>) src(%arg5 : memref<512x16xf32, #tpu.memory_space<vmem>>) dst(%dma_wait3A_35 : memref<10240x16xf32, #tpu.memory_space<vmem_shared>>)
    %dma_wait3A_36 = arith.constant 0 : i32
    %dma_wait3A_37 = arith.constant 0 : i32
    %dma_wait3A_38 = tpu.memref_slice %arg4[%dma_wait3A_36, %dma_wait3A_37] : memref<40x512xi32, #tpu.memory_space<vmem>> -> memref<1x512xi32, #tpu.memory_space<vmem>>
    %dma_wait3A_39 = tpu.memref_squeeze %dma_wait3A_38 : memref<1x512xi32, #tpu.memory_space<vmem>> -> memref<512xi32, #tpu.memory_space<vmem>>
    %dma_wait3A_40 = arith.constant 0 : i32
    %dma_wait3A_41 = arith.constant 0 : i32
    %dma_wait3A_42 = tpu.memref_slice %arg6[%dma_wait3A_40, %dma_wait3A_41] : memref<10240x16xf32, #tpu.memory_space<vmem_shared>> -> memref<10240x16xf32, #tpu.memory_space<vmem_shared>>
    tpu.wait_indirect_dma semaphore(%arg7 : memref<!tpu.dma_semaphore, #tpu.memory_space<semaphore_mem>>) src(%arg5 : memref<512x16xf32, #tpu.memory_space<vmem>>) dst(%dma_wait3A_42 : memref<10240x16xf32, #tpu.memory_space<vmem_shared>>)
    %barrier3A_43 = arith.constant 0 : index
    tpu.barrier barrier_id(%barrier3A_43)
    %mul3A_44 = arith.constant 640 : i32
    %mul3A_45 = arith.muli %arg1, %mul3A_44 : i32
    %mul3A_46 = arith.constant 640 : i32
    %mul3A_47 = arith.muli %arg1, %mul3A_46 : i32
    "tpu.region"() ({
      %run_scoped3A = tpu.sem_alloc : memref<!tpu.dma_semaphore, #tpu.memory_space<semaphore_mem>>
      %dma_start3A = arith.constant 0 : i32
      %dma_start3A_48 = tpu.memref_slice %arg3[%arg0, %mul3A_47, %dma_start3A] : memref<2x10240x16xf32, #tpu.memory_space<hbm>> -> memref<1x640x16xf32, #tpu.memory_space<hbm>>
      %dma_start3A_49 = tpu.memref_squeeze %dma_start3A_48 : memref<1x640x16xf32, #tpu.memory_space<hbm>> -> memref<640x16xf32, #tpu.memory_space<hbm>>
      %dma_start3A_50 = arith.constant 0 : i32
      %dma_start3A_51 = tpu.memref_slice %arg6[%mul3A_45, %dma_start3A_50] : memref<10240x16xf32, #tpu.memory_space<vmem_shared>> -> memref<640x16xf32, #tpu.memory_space<vmem_shared>>
      tpu.enqueue_dma source(%dma_start3A_51 : memref<640x16xf32, #tpu.memory_space<vmem_shared>>) target(%dma_start3A_49 : memref<640x16xf32, #tpu.memory_space<hbm>>) target_semaphore(%run_scoped3A : memref<!tpu.dma_semaphore, #tpu.memory_space<semaphore_mem>>)
      %dma_wait3A_52 = arith.constant 0 : i32
      %dma_wait3A_53 = tpu.memref_slice %arg3[%arg0, %mul3A_47, %dma_wait3A_52] : memref<2x10240x16xf32, #tpu.memory_space<hbm>> -> memref<1x640x16xf32, #tpu.memory_space<hbm>>
      %dma_wait3A_54 = tpu.memref_squeeze %dma_wait3A_53 : memref<1x640x16xf32, #tpu.memory_space<hbm>> -> memref<640x16xf32, #tpu.memory_space<hbm>>
      %dma_wait3A_55 = arith.constant 0 : i32
      %dma_wait3A_56 = tpu.memref_slice %arg6[%mul3A_45, %dma_wait3A_55] : memref<10240x16xf32, #tpu.memory_space<vmem_shared>> -> memref<640x16xf32, #tpu.memory_space<vmem_shared>>
      tpu.wait_dma2 semaphore(%run_scoped3A : memref<!tpu.dma_semaphore, #tpu.memory_space<semaphore_mem>>) src(%dma_wait3A_56 : memref<640x16xf32, #tpu.memory_space<vmem_shared>>) dst(%dma_wait3A_54 : memref<640x16xf32, #tpu.memory_space<hbm>>)
      tpu.yield
    }) : () -> ()
    return
  }
}

#map = affine_map<(d0, d1) -> (0, 0)>
#map1 = affine_map<(d0, d1) -> (0, 0, 0)>
#map2 = affine_map<(d0, d1) -> (0, 0, 0, 0)>
module attributes {stable_mosaic.version = 14 : i64} {
  func.func @_scat(%arg0: i32, %arg1: i32, %arg2: memref<40960x64xf32, #tpu.memory_space<hbm>>, %arg3: memref<2x2048x160xi32, #tpu.memory_space<hbm>>, %arg4: memref<2x2048x160xi32, #tpu.memory_space<hbm>>, %arg5: memref<2x2x10240x64xf32, #tpu.memory_space<hbm>>, %arg6: memref<128x160xi32, #tpu.memory_space<vmem>>, %arg7: memref<128x160xi32, #tpu.memory_space<vmem>>, %arg8: memref<160x64xf32, #tpu.memory_space<vmem>>, %arg9: memref<160x64xf32, #tpu.memory_space<vmem>>, %arg10: memref<160x64xf32, #tpu.memory_space<vmem>>, %arg11: memref<160x64xf32, #tpu.memory_space<vmem>>, %arg12: memref<10240x64xf32, #tpu.memory_space<vmem_shared>>, %arg13: memref<!tpu.dma_semaphore, #tpu.memory_space<semaphore_mem>>, %arg14: memref<!tpu.dma_semaphore, #tpu.memory_space<semaphore_mem>>, %arg15: memref<!tpu.dma_semaphore, #tpu.memory_space<semaphore_mem>>, %arg16: memref<!tpu.dma_semaphore, #tpu.memory_space<semaphore_mem>>, %arg17: memref<!tpu.dma_semaphore, #tpu.memory_space<semaphore_mem>>, %arg18: memref<!tpu.dma_semaphore, #tpu.memory_space<semaphore_mem>>, %arg19: memref<!tpu.dma_semaphore, #tpu.memory_space<semaphore_mem>>, %arg20: memref<!tpu.dma_semaphore, #tpu.memory_space<semaphore_mem>>) attributes {dimension_semantics = [#tpu.dimension_semantics<core_parallel>, #tpu.dimension_semantics<subcore_parallel>], iteration_bounds = array<i64: 2, 16>, scalar_prefetch = 0 : i64, scratch_operands = 15 : i64, tpu.core_type = #tpu.core_type<sc_vector_subcore>, window_params = [{transform_indices = #map}, {transform_indices = #map1}, {transform_indices = #map1}, {transform_indices = #map2}]} {
    %mul3A = arith.constant 128 : i32
    %mul3A_0 = arith.muli %arg1, %mul3A : i32
    "tpu.region"() ({
      %run_scoped3A_130 = tpu.sem_alloc : memref<!tpu.dma_semaphore, #tpu.memory_space<semaphore_mem>>
      %dma_start3A = arith.constant 0 : i32
      %dma_start3A_131 = tpu.memref_slice %arg3[%arg0, %mul3A_0, %dma_start3A] : memref<2x2048x160xi32, #tpu.memory_space<hbm>> -> memref<1x128x160xi32, #tpu.memory_space<hbm>>
      %dma_start3A_132 = tpu.memref_squeeze %dma_start3A_131 : memref<1x128x160xi32, #tpu.memory_space<hbm>> -> memref<128x160xi32, #tpu.memory_space<hbm>>
      %dma_start3A_133 = arith.constant 0 : i32
      %dma_start3A_134 = tpu.memref_slice %arg3[%arg0, %mul3A_0, %dma_start3A_133] : memref<2x2048x160xi32, #tpu.memory_space<hbm>> -> memref<1x128x160xi32, #tpu.memory_space<hbm>>
      %dma_start3A_135 = tpu.memref_squeeze %dma_start3A_134 : memref<1x128x160xi32, #tpu.memory_space<hbm>> -> memref<128x160xi32, #tpu.memory_space<hbm>>
      tpu.enqueue_dma source(%dma_start3A_135 : memref<128x160xi32, #tpu.memory_space<hbm>>) target(%arg6 : memref<128x160xi32, #tpu.memory_space<vmem>>) target_semaphore(%run_scoped3A_130 : memref<!tpu.dma_semaphore, #tpu.memory_space<semaphore_mem>>)
      %dma_wait3A_136 = arith.constant 0 : i32
      %dma_wait3A_137 = tpu.memref_slice %arg3[%arg0, %mul3A_0, %dma_wait3A_136] : memref<2x2048x160xi32, #tpu.memory_space<hbm>> -> memref<1x128x160xi32, #tpu.memory_space<hbm>>
      %dma_wait3A_138 = tpu.memref_squeeze %dma_wait3A_137 : memref<1x128x160xi32, #tpu.memory_space<hbm>> -> memref<128x160xi32, #tpu.memory_space<hbm>>
      %dma_wait3A_139 = arith.constant 0 : i32
      %dma_wait3A_140 = tpu.memref_slice %arg3[%arg0, %mul3A_0, %dma_wait3A_139] : memref<2x2048x160xi32, #tpu.memory_space<hbm>> -> memref<1x128x160xi32, #tpu.memory_space<hbm>>
      %dma_wait3A_141 = tpu.memref_squeeze %dma_wait3A_140 : memref<1x128x160xi32, #tpu.memory_space<hbm>> -> memref<128x160xi32, #tpu.memory_space<hbm>>
      tpu.wait_dma2 semaphore(%run_scoped3A_130 : memref<!tpu.dma_semaphore, #tpu.memory_space<semaphore_mem>>) src(%dma_wait3A_141 : memref<128x160xi32, #tpu.memory_space<hbm>>) dst(%arg6 : memref<128x160xi32, #tpu.memory_space<vmem>>)
      tpu.yield
    }) : () -> ()
    %mul3A_1 = arith.constant 128 : i32
    %mul3A_2 = arith.muli %arg1, %mul3A_1 : i32
    "tpu.region"() ({
      %run_scoped3A_130 = tpu.sem_alloc : memref<!tpu.dma_semaphore, #tpu.memory_space<semaphore_mem>>
      %dma_start3A = arith.constant 0 : i32
      %dma_start3A_131 = tpu.memref_slice %arg4[%arg0, %mul3A_2, %dma_start3A] : memref<2x2048x160xi32, #tpu.memory_space<hbm>> -> memref<1x128x160xi32, #tpu.memory_space<hbm>>
      %dma_start3A_132 = tpu.memref_squeeze %dma_start3A_131 : memref<1x128x160xi32, #tpu.memory_space<hbm>> -> memref<128x160xi32, #tpu.memory_space<hbm>>
      %dma_start3A_133 = arith.constant 0 : i32
      %dma_start3A_134 = tpu.memref_slice %arg4[%arg0, %mul3A_2, %dma_start3A_133] : memref<2x2048x160xi32, #tpu.memory_space<hbm>> -> memref<1x128x160xi32, #tpu.memory_space<hbm>>
      %dma_start3A_135 = tpu.memref_squeeze %dma_start3A_134 : memref<1x128x160xi32, #tpu.memory_space<hbm>> -> memref<128x160xi32, #tpu.memory_space<hbm>>
      tpu.enqueue_dma source(%dma_start3A_135 : memref<128x160xi32, #tpu.memory_space<hbm>>) target(%arg7 : memref<128x160xi32, #tpu.memory_space<vmem>>) target_semaphore(%run_scoped3A_130 : memref<!tpu.dma_semaphore, #tpu.memory_space<semaphore_mem>>)
      %dma_wait3A_136 = arith.constant 0 : i32
      %dma_wait3A_137 = tpu.memref_slice %arg4[%arg0, %mul3A_2, %dma_wait3A_136] : memref<2x2048x160xi32, #tpu.memory_space<hbm>> -> memref<1x128x160xi32, #tpu.memory_space<hbm>>
      %dma_wait3A_138 = tpu.memref_squeeze %dma_wait3A_137 : memref<1x128x160xi32, #tpu.memory_space<hbm>> -> memref<128x160xi32, #tpu.memory_space<hbm>>
      %dma_wait3A_139 = arith.constant 0 : i32
      %dma_wait3A_140 = tpu.memref_slice %arg4[%arg0, %mul3A_2, %dma_wait3A_139] : memref<2x2048x160xi32, #tpu.memory_space<hbm>> -> memref<1x128x160xi32, #tpu.memory_space<hbm>>
      %dma_wait3A_141 = tpu.memref_squeeze %dma_wait3A_140 : memref<1x128x160xi32, #tpu.memory_space<hbm>> -> memref<128x160xi32, #tpu.memory_space<hbm>>
      tpu.wait_dma2 semaphore(%run_scoped3A_130 : memref<!tpu.dma_semaphore, #tpu.memory_space<semaphore_mem>>) src(%dma_wait3A_141 : memref<128x160xi32, #tpu.memory_space<hbm>>) dst(%arg7 : memref<128x160xi32, #tpu.memory_space<vmem>>)
      tpu.yield
    }) : () -> ()
    %scan3A = arith.constant 0 : i32
    %scan3A_3 = arith.constant 0 : i32
    %scan3A_4 = arith.constant 160 : i32
    %scan3A_5 = arith.addi %scan3A_3, %scan3A_4 : i32
    %scan3A_6 = arith.constant 1 : i32
    scf.for %scan3A_130 = %scan3A_3 to %scan3A_5 step %scan3A_6  : i32 {
      %broadcast_in_dim3A = arith.constant 0.000000e+00 : f32
      %broadcast_in_dim3A_131 = vector.broadcast %broadcast_in_dim3A : f32 to vector<16xf32>
      %swap3A = arith.index_cast %scan3A_130 : i32 to index
      %swap3A_132 = arith.constant 0 : index
      %swap3A_133 = tpu.vector_load %arg8[%swap3A, %swap3A_132] {strides = array<i32>} : memref<160x64xf32, #tpu.memory_space<vmem>>, vector<1x16xf32>,
      %swap3A_134 = vector.shape_cast %swap3A_133 : vector<1x16xf32> to vector<16xf32>
      %swap3A_135 = vector.shape_cast %broadcast_in_dim3A_131 : vector<16xf32> to vector<1x16xf32>
      tpu.vector_store %arg8[%swap3A, %swap3A_132], %swap3A_135 {strides = array<i32>} : memref<160x64xf32, #tpu.memory_space<vmem>>, vector<1x16xf32>,
      %broadcast_in_dim3A_136 = arith.constant 0.000000e+00 : f32
      %broadcast_in_dim3A_137 = vector.broadcast %broadcast_in_dim3A_136 : f32 to vector<16xf32>
      %swap3A_138 = arith.index_cast %scan3A_130 : i32 to index
      %swap3A_139 = arith.constant 16 : index
      %swap3A_140 = tpu.vector_load %arg8[%swap3A_138, %swap3A_139] {strides = array<i32>} : memref<160x64xf32, #tpu.memory_space<vmem>>, vector<1x16xf32>,
      %swap3A_141 = vector.shape_cast %swap3A_140 : vector<1x16xf32> to vector<16xf32>
      %swap3A_142 = vector.shape_cast %broadcast_in_dim3A_137 : vector<16xf32> to vector<1x16xf32>
      tpu.vector_store %arg8[%swap3A_138, %swap3A_139], %swap3A_142 {strides = array<i32>} : memref<160x64xf32, #tpu.memory_space<vmem>>, vector<1x16xf32>,
      %broadcast_in_dim3A_143 = arith.constant 0.000000e+00 : f32
      %broadcast_in_dim3A_144 = vector.broadcast %broadcast_in_dim3A_143 : f32 to vector<16xf32>
      %swap3A_145 = arith.index_cast %scan3A_130 : i32 to index
      %swap3A_146 = arith.constant 32 : index
      %swap3A_147 = tpu.vector_load %arg8[%swap3A_145, %swap3A_146] {strides = array<i32>} : memref<160x64xf32, #tpu.memory_space<vmem>>, vector<1x16xf32>,
      %swap3A_148 = vector.shape_cast %swap3A_147 : vector<1x16xf32> to vector<16xf32>
      %swap3A_149 = vector.shape_cast %broadcast_in_dim3A_144 : vector<16xf32> to vector<1x16xf32>
      tpu.vector_store %arg8[%swap3A_145, %swap3A_146], %swap3A_149 {strides = array<i32>} : memref<160x64xf32, #tpu.memory_space<vmem>>, vector<1x16xf32>,
      %broadcast_in_dim3A_150 = arith.constant 0.000000e+00 : f32
      %broadcast_in_dim3A_151 = vector.broadcast %broadcast_in_dim3A_150 : f32 to vector<16xf32>
      %swap3A_152 = arith.index_cast %scan3A_130 : i32 to index
      %swap3A_153 = arith.constant 48 : index
      %swap3A_154 = tpu.vector_load %arg8[%swap3A_152, %swap3A_153] {strides = array<i32>} : memref<160x64xf32, #tpu.memory_space<vmem>>, vector<1x16xf32>,
      %swap3A_155 = vector.shape_cast %swap3A_154 : vector<1x16xf32> to vector<16xf32>
      %swap3A_156 = vector.shape_cast %broadcast_in_dim3A_151 : vector<16xf32> to vector<1x16xf32>
      tpu.vector_store %arg8[%swap3A_152, %swap3A_153], %swap3A_156 {strides = array<i32>} : memref<160x64xf32, #tpu.memory_space<vmem>>, vector<1x16xf32>,
    }
    %scan3A_7 = arith.constant 160 : i32
    %mul3A_8 = arith.constant 640 : i32
    %mul3A_9 = arith.muli %arg1, %mul3A_8 : i32
    %add3A = arith.constant 0 : i32
    %add3A_10 = arith.addi %mul3A_9, %add3A : i32
    "tpu.region"() ({
      %run_scoped3A_130 = tpu.sem_alloc : memref<!tpu.dma_semaphore, #tpu.memory_space<semaphore_mem>>
      %dma_start3A = arith.constant 0 : i32
      %dma_start3A_131 = arith.constant 0 : i32
      %dma_start3A_132 = tpu.memref_slice %arg8[%dma_start3A, %dma_start3A_131] : memref<160x64xf32, #tpu.memory_space<vmem>> -> memref<160x64xf32, #tpu.memory_space<vmem>>
      %dma_start3A_133 = arith.constant 0 : i32
      %dma_start3A_134 = tpu.memref_slice %arg12[%add3A_10, %dma_start3A_133] : memref<10240x64xf32, #tpu.memory_space<vmem_shared>> -> memref<160x64xf32, #tpu.memory_space<vmem_shared>>
      %dma_start3A_135 = arith.constant 0 : i32
      %dma_start3A_136 = tpu.memref_slice %arg12[%add3A_10, %dma_start3A_135] : memref<10240x64xf32, #tpu.memory_space<vmem_shared>> -> memref<160x64xf32, #tpu.memory_space<vmem_shared>>
      %dma_start3A_137 = arith.constant 0 : i32
      %dma_start3A_138 = arith.constant 0 : i32
      %dma_start3A_139 = tpu.memref_slice %arg8[%dma_start3A_137, %dma_start3A_138] : memref<160x64xf32, #tpu.memory_space<vmem>> -> memref<160x64xf32, #tpu.memory_space<vmem>>
      tpu.enqueue_dma source(%dma_start3A_139 : memref<160x64xf32, #tpu.memory_space<vmem>>) target(%dma_start3A_136 : memref<160x64xf32, #tpu.memory_space<vmem_shared>>) target_semaphore(%run_scoped3A_130 : memref<!tpu.dma_semaphore, #tpu.memory_space<semaphore_mem>>)
      %dma_wait3A_140 = arith.constant 0 : i32
      %dma_wait3A_141 = arith.constant 0 : i32
      %dma_wait3A_142 = tpu.memref_slice %arg8[%dma_wait3A_140, %dma_wait3A_141] : memref<160x64xf32, #tpu.memory_space<vmem>> -> memref<160x64xf32, #tpu.memory_space<vmem>>
      %dma_wait3A_143 = arith.constant 0 : i32
      %dma_wait3A_144 = tpu.memref_slice %arg12[%add3A_10, %dma_wait3A_143] : memref<10240x64xf32, #tpu.memory_space<vmem_shared>> -> memref<160x64xf32, #tpu.memory_space<vmem_shared>>
      %dma_wait3A_145 = arith.constant 0 : i32
      %dma_wait3A_146 = tpu.memref_slice %arg12[%add3A_10, %dma_wait3A_145] : memref<10240x64xf32, #tpu.memory_space<vmem_shared>> -> memref<160x64xf32, #tpu.memory_space<vmem_shared>>
      %dma_wait3A_147 = arith.constant 0 : i32
      %dma_wait3A_148 = arith.constant 0 : i32
      %dma_wait3A_149 = tpu.memref_slice %arg8[%dma_wait3A_147, %dma_wait3A_148] : memref<160x64xf32, #tpu.memory_space<vmem>> -> memref<160x64xf32, #tpu.memory_space<vmem>>
      tpu.wait_dma2 semaphore(%run_scoped3A_130 : memref<!tpu.dma_semaphore, #tpu.memory_space<semaphore_mem>>) src(%dma_wait3A_149 : memref<160x64xf32, #tpu.memory_space<vmem>>) dst(%dma_wait3A_146 : memref<160x64xf32, #tpu.memory_space<vmem_shared>>)
      tpu.yield
    }) : () -> ()
    %mul3A_11 = arith.constant 640 : i32
    %mul3A_12 = arith.muli %arg1, %mul3A_11 : i32
    %add3A_13 = arith.constant 160 : i32
    %add3A_14 = arith.addi %mul3A_12, %add3A_13 : i32
    "tpu.region"() ({
      %run_scoped3A_130 = tpu.sem_alloc : memref<!tpu.dma_semaphore, #tpu.memory_space<semaphore_mem>>
      %dma_start3A = arith.constant 0 : i32
      %dma_start3A_131 = arith.constant 0 : i32
      %dma_start3A_132 = tpu.memref_slice %arg8[%dma_start3A, %dma_start3A_131] : memref<160x64xf32, #tpu.memory_space<vmem>> -> memref<160x64xf32, #tpu.memory_space<vmem>>
      %dma_start3A_133 = arith.constant 0 : i32
      %dma_start3A_134 = tpu.memref_slice %arg12[%add3A_14, %dma_start3A_133] : memref<10240x64xf32, #tpu.memory_space<vmem_shared>> -> memref<160x64xf32, #tpu.memory_space<vmem_shared>>
      %dma_start3A_135 = arith.constant 0 : i32
      %dma_start3A_136 = tpu.memref_slice %arg12[%add3A_14, %dma_start3A_135] : memref<10240x64xf32, #tpu.memory_space<vmem_shared>> -> memref<160x64xf32, #tpu.memory_space<vmem_shared>>
      %dma_start3A_137 = arith.constant 0 : i32
      %dma_start3A_138 = arith.constant 0 : i32
      %dma_start3A_139 = tpu.memref_slice %arg8[%dma_start3A_137, %dma_start3A_138] : memref<160x64xf32, #tpu.memory_space<vmem>> -> memref<160x64xf32, #tpu.memory_space<vmem>>
      tpu.enqueue_dma source(%dma_start3A_139 : memref<160x64xf32, #tpu.memory_space<vmem>>) target(%dma_start3A_136 : memref<160x64xf32, #tpu.memory_space<vmem_shared>>) target_semaphore(%run_scoped3A_130 : memref<!tpu.dma_semaphore, #tpu.memory_space<semaphore_mem>>)
      %dma_wait3A_140 = arith.constant 0 : i32
      %dma_wait3A_141 = arith.constant 0 : i32
      %dma_wait3A_142 = tpu.memref_slice %arg8[%dma_wait3A_140, %dma_wait3A_141] : memref<160x64xf32, #tpu.memory_space<vmem>> -> memref<160x64xf32, #tpu.memory_space<vmem>>
      %dma_wait3A_143 = arith.constant 0 : i32
      %dma_wait3A_144 = tpu.memref_slice %arg12[%add3A_14, %dma_wait3A_143] : memref<10240x64xf32, #tpu.memory_space<vmem_shared>> -> memref<160x64xf32, #tpu.memory_space<vmem_shared>>
      %dma_wait3A_145 = arith.constant 0 : i32
      %dma_wait3A_146 = tpu.memref_slice %arg12[%add3A_14, %dma_wait3A_145] : memref<10240x64xf32, #tpu.memory_space<vmem_shared>> -> memref<160x64xf32, #tpu.memory_space<vmem_shared>>
      %dma_wait3A_147 = arith.constant 0 : i32
      %dma_wait3A_148 = arith.constant 0 : i32
      %dma_wait3A_149 = tpu.memref_slice %arg8[%dma_wait3A_147, %dma_wait3A_148] : memref<160x64xf32, #tpu.memory_space<vmem>> -> memref<160x64xf32, #tpu.memory_space<vmem>>
      tpu.wait_dma2 semaphore(%run_scoped3A_130 : memref<!tpu.dma_semaphore, #tpu.memory_space<semaphore_mem>>) src(%dma_wait3A_149 : memref<160x64xf32, #tpu.memory_space<vmem>>) dst(%dma_wait3A_146 : memref<160x64xf32, #tpu.memory_space<vmem_shared>>)
      tpu.yield
    }) : () -> ()
    %mul3A_15 = arith.constant 640 : i32
    %mul3A_16 = arith.muli %arg1, %mul3A_15 : i32
    %add3A_17 = arith.constant 320 : i32
    %add3A_18 = arith.addi %mul3A_16, %add3A_17 : i32
    "tpu.region"() ({
      %run_scoped3A_130 = tpu.sem_alloc : memref<!tpu.dma_semaphore, #tpu.memory_space<semaphore_mem>>
      %dma_start3A = arith.constant 0 : i32
      %dma_start3A_131 = arith.constant 0 : i32
      %dma_start3A_132 = tpu.memref_slice %arg8[%dma_start3A, %dma_start3A_131] : memref<160x64xf32, #tpu.memory_space<vmem>> -> memref<160x64xf32, #tpu.memory_space<vmem>>
      %dma_start3A_133 = arith.constant 0 : i32
      %dma_start3A_134 = tpu.memref_slice %arg12[%add3A_18, %dma_start3A_133] : memref<10240x64xf32, #tpu.memory_space<vmem_shared>> -> memref<160x64xf32, #tpu.memory_space<vmem_shared>>
      %dma_start3A_135 = arith.constant 0 : i32
      %dma_start3A_136 = tpu.memref_slice %arg12[%add3A_18, %dma_start3A_135] : memref<10240x64xf32, #tpu.memory_space<vmem_shared>> -> memref<160x64xf32, #tpu.memory_space<vmem_shared>>
      %dma_start3A_137 = arith.constant 0 : i32
      %dma_start3A_138 = arith.constant 0 : i32
      %dma_start3A_139 = tpu.memref_slice %arg8[%dma_start3A_137, %dma_start3A_138] : memref<160x64xf32, #tpu.memory_space<vmem>> -> memref<160x64xf32, #tpu.memory_space<vmem>>
      tpu.enqueue_dma source(%dma_start3A_139 : memref<160x64xf32, #tpu.memory_space<vmem>>) target(%dma_start3A_136 : memref<160x64xf32, #tpu.memory_space<vmem_shared>>) target_semaphore(%run_scoped3A_130 : memref<!tpu.dma_semaphore, #tpu.memory_space<semaphore_mem>>)
      %dma_wait3A_140 = arith.constant 0 : i32
      %dma_wait3A_141 = arith.constant 0 : i32
      %dma_wait3A_142 = tpu.memref_slice %arg8[%dma_wait3A_140, %dma_wait3A_141] : memref<160x64xf32, #tpu.memory_space<vmem>> -> memref<160x64xf32, #tpu.memory_space<vmem>>
      %dma_wait3A_143 = arith.constant 0 : i32
      %dma_wait3A_144 = tpu.memref_slice %arg12[%add3A_18, %dma_wait3A_143] : memref<10240x64xf32, #tpu.memory_space<vmem_shared>> -> memref<160x64xf32, #tpu.memory_space<vmem_shared>>
      %dma_wait3A_145 = arith.constant 0 : i32
      %dma_wait3A_146 = tpu.memref_slice %arg12[%add3A_18, %dma_wait3A_145] : memref<10240x64xf32, #tpu.memory_space<vmem_shared>> -> memref<160x64xf32, #tpu.memory_space<vmem_shared>>
      %dma_wait3A_147 = arith.constant 0 : i32
      %dma_wait3A_148 = arith.constant 0 : i32
      %dma_wait3A_149 = tpu.memref_slice %arg8[%dma_wait3A_147, %dma_wait3A_148] : memref<160x64xf32, #tpu.memory_space<vmem>> -> memref<160x64xf32, #tpu.memory_space<vmem>>
      tpu.wait_dma2 semaphore(%run_scoped3A_130 : memref<!tpu.dma_semaphore, #tpu.memory_space<semaphore_mem>>) src(%dma_wait3A_149 : memref<160x64xf32, #tpu.memory_space<vmem>>) dst(%dma_wait3A_146 : memref<160x64xf32, #tpu.memory_space<vmem_shared>>)
      tpu.yield
    }) : () -> ()
    %mul3A_19 = arith.constant 640 : i32
    %mul3A_20 = arith.muli %arg1, %mul3A_19 : i32
    %add3A_21 = arith.constant 480 : i32
    %add3A_22 = arith.addi %mul3A_20, %add3A_21 : i32
    "tpu.region"() ({
      %run_scoped3A_130 = tpu.sem_alloc : memref<!tpu.dma_semaphore, #tpu.memory_space<semaphore_mem>>
      %dma_start3A = arith.constant 0 : i32
      %dma_start3A_131 = arith.constant 0 : i32
      %dma_start3A_132 = tpu.memref_slice %arg8[%dma_start3A, %dma_start3A_131] : memref<160x64xf32, #tpu.memory_space<vmem>> -> memref<160x64xf32, #tpu.memory_space<vmem>>
      %dma_start3A_133 = arith.constant 0 : i32
      %dma_start3A_134 = tpu.memref_slice %arg12[%add3A_22, %dma_start3A_133] : memref<10240x64xf32, #tpu.memory_space<vmem_shared>> -> memref<160x64xf32, #tpu.memory_space<vmem_shared>>
      %dma_start3A_135 = arith.constant 0 : i32
      %dma_start3A_136 = tpu.memref_slice %arg12[%add3A_22, %dma_start3A_135] : memref<10240x64xf32, #tpu.memory_space<vmem_shared>> -> memref<160x64xf32, #tpu.memory_space<vmem_shared>>
      %dma_start3A_137 = arith.constant 0 : i32
      %dma_start3A_138 = arith.constant 0 : i32
      %dma_start3A_139 = tpu.memref_slice %arg8[%dma_start3A_137, %dma_start3A_138] : memref<160x64xf32, #tpu.memory_space<vmem>> -> memref<160x64xf32, #tpu.memory_space<vmem>>
      tpu.enqueue_dma source(%dma_start3A_139 : memref<160x64xf32, #tpu.memory_space<vmem>>) target(%dma_start3A_136 : memref<160x64xf32, #tpu.memory_space<vmem_shared>>) target_semaphore(%run_scoped3A_130 : memref<!tpu.dma_semaphore, #tpu.memory_space<semaphore_mem>>)
      %dma_wait3A_140 = arith.constant 0 : i32
      %dma_wait3A_141 = arith.constant 0 : i32
      %dma_wait3A_142 = tpu.memref_slice %arg8[%dma_wait3A_140, %dma_wait3A_141] : memref<160x64xf32, #tpu.memory_space<vmem>> -> memref<160x64xf32, #tpu.memory_space<vmem>>
      %dma_wait3A_143 = arith.constant 0 : i32
      %dma_wait3A_144 = tpu.memref_slice %arg12[%add3A_22, %dma_wait3A_143] : memref<10240x64xf32, #tpu.memory_space<vmem_shared>> -> memref<160x64xf32, #tpu.memory_space<vmem_shared>>
      %dma_wait3A_145 = arith.constant 0 : i32
      %dma_wait3A_146 = tpu.memref_slice %arg12[%add3A_22, %dma_wait3A_145] : memref<10240x64xf32, #tpu.memory_space<vmem_shared>> -> memref<160x64xf32, #tpu.memory_space<vmem_shared>>
      %dma_wait3A_147 = arith.constant 0 : i32
      %dma_wait3A_148 = arith.constant 0 : i32
      %dma_wait3A_149 = tpu.memref_slice %arg8[%dma_wait3A_147, %dma_wait3A_148] : memref<160x64xf32, #tpu.memory_space<vmem>> -> memref<160x64xf32, #tpu.memory_space<vmem>>
      tpu.wait_dma2 semaphore(%run_scoped3A_130 : memref<!tpu.dma_semaphore, #tpu.memory_space<semaphore_mem>>) src(%dma_wait3A_149 : memref<160x64xf32, #tpu.memory_space<vmem>>) dst(%dma_wait3A_146 : memref<160x64xf32, #tpu.memory_space<vmem_shared>>)
      tpu.yield
    }) : () -> ()
    %barrier3A = arith.constant 0 : index
    tpu.barrier barrier_id(%barrier3A)
    %scan3A_23 = arith.constant 0 : i32
    %scan3A_24 = arith.constant 0 : i32
    %scan3A_25 = arith.constant 32 : i32
    %scan3A_26 = arith.addi %scan3A_24, %scan3A_25 : i32
    %scan3A_27 = arith.constant 1 : i32
    scf.for %scan3A_130 = %scan3A_24 to %scan3A_26 step %scan3A_27  : i32 {
      %mul3A_131 = arith.constant 4 : i32
      %mul3A_132 = arith.muli %mul3A_131, %scan3A_130 : i32
      %gt3A = arith.constant 0 : i32
      %gt3A_133 = arith.cmpi sgt, %scan3A_130, %gt3A : i32
      %convert_element_type3A = arith.extui %gt3A_133 : i1 to i32
      %cond3A = arith.constant 0 : i32
      %cond3A_134 = arith.cmpi ne, %convert_element_type3A, %cond3A : i32
      scf.if %cond3A_134 {
        %dma_wait3A_245 = arith.constant 0 : i32
        %dma_wait3A_246 = arith.constant 0 : i32
        %dma_wait3A_247 = tpu.memref_slice %arg7[%dma_wait3A_245, %dma_wait3A_246] : memref<128x160xi32, #tpu.memory_space<vmem>> -> memref<1x160xi32, #tpu.memory_space<vmem>>
        %dma_wait3A_248 = tpu.memref_squeeze %dma_wait3A_247 : memref<1x160xi32, #tpu.memory_space<vmem>> -> memref<160xi32, #tpu.memory_space<vmem>>
        %dma_wait3A_249 = arith.constant 0 : i32
        %dma_wait3A_250 = arith.constant 0 : i32
        %dma_wait3A_251 = tpu.memref_slice %arg12[%dma_wait3A_249, %dma_wait3A_250] : memref<10240x64xf32, #tpu.memory_space<vmem_shared>> -> memref<10240x64xf32, #tpu.memory_space<vmem_shared>>
        tpu.wait_indirect_dma semaphore(%arg17 : memref<!tpu.dma_semaphore, #tpu.memory_space<semaphore_mem>>) src(%arg8 : memref<160x64xf32, #tpu.memory_space<vmem>>) dst(%dma_wait3A_251 : memref<10240x64xf32, #tpu.memory_space<vmem_shared>>)
      } else {
      }
      %add3A_135 = arith.constant 0 : i32
      %add3A_136 = arith.addi %mul3A_132, %add3A_135 : i32
      %dma_start3A = arith.constant 0 : i32
      %dma_start3A_137 = tpu.memref_slice %arg6[%add3A_136, %dma_start3A] : memref<128x160xi32, #tpu.memory_space<vmem>> -> memref<1x160xi32, #tpu.memory_space<vmem>>
      %dma_start3A_138 = tpu.memref_squeeze %dma_start3A_137 : memref<1x160xi32, #tpu.memory_space<vmem>> -> memref<160xi32, #tpu.memory_space<vmem>>
      %dma_start3A_139 = arith.constant 0 : i32
      %dma_start3A_140 = arith.constant 0 : i32
      %dma_start3A_141 = tpu.memref_slice %arg2[%dma_start3A_139, %dma_start3A_140] : memref<40960x64xf32, #tpu.memory_space<hbm>> -> memref<40960x64xf32, #tpu.memory_space<hbm>>
      tpu.enqueue_indirect_dma source(%dma_start3A_141 : memref<40960x64xf32, #tpu.memory_space<hbm>>) target(%arg8 : memref<160x64xf32, #tpu.memory_space<vmem>>) offsets(%dma_start3A_138 : memref<160xi32, #tpu.memory_space<vmem>>) semaphore(%arg13 : memref<!tpu.dma_semaphore, #tpu.memory_space<semaphore_mem>>)
      %gt3A_142 = arith.constant 0 : i32
      %gt3A_143 = arith.cmpi sgt, %scan3A_130, %gt3A_142 : i32
      %convert_element_type3A_144 = arith.extui %gt3A_143 : i1 to i32
      %cond3A_145 = arith.constant 0 : i32
      %cond3A_146 = arith.cmpi ne, %convert_element_type3A_144, %cond3A_145 : i32
      scf.if %cond3A_146 {
        %dma_wait3A_245 = arith.constant 0 : i32
        %dma_wait3A_246 = arith.constant 0 : i32
        %dma_wait3A_247 = tpu.memref_slice %arg7[%dma_wait3A_245, %dma_wait3A_246] : memref<128x160xi32, #tpu.memory_space<vmem>> -> memref<1x160xi32, #tpu.memory_space<vmem>>
        %dma_wait3A_248 = tpu.memref_squeeze %dma_wait3A_247 : memref<1x160xi32, #tpu.memory_space<vmem>> -> memref<160xi32, #tpu.memory_space<vmem>>
        %dma_wait3A_249 = arith.constant 0 : i32
        %dma_wait3A_250 = arith.constant 0 : i32
        %dma_wait3A_251 = tpu.memref_slice %arg12[%dma_wait3A_249, %dma_wait3A_250] : memref<10240x64xf32, #tpu.memory_space<vmem_shared>> -> memref<10240x64xf32, #tpu.memory_space<vmem_shared>>
        tpu.wait_indirect_dma semaphore(%arg18 : memref<!tpu.dma_semaphore, #tpu.memory_space<semaphore_mem>>) src(%arg9 : memref<160x64xf32, #tpu.memory_space<vmem>>) dst(%dma_wait3A_251 : memref<10240x64xf32, #tpu.memory_space<vmem_shared>>)
      } else {
      }
      %add3A_147 = arith.constant 1 : i32
      %add3A_148 = arith.addi %mul3A_132, %add3A_147 : i32
      %dma_start3A_149 = arith.constant 0 : i32
      %dma_start3A_150 = tpu.memref_slice %arg6[%add3A_148, %dma_start3A_149] : memref<128x160xi32, #tpu.memory_space<vmem>> -> memref<1x160xi32, #tpu.memory_space<vmem>>
      %dma_start3A_151 = tpu.memref_squeeze %dma_start3A_150 : memref<1x160xi32, #tpu.memory_space<vmem>> -> memref<160xi32, #tpu.memory_space<vmem>>
      %dma_start3A_152 = arith.constant 0 : i32
      %dma_start3A_153 = arith.constant 0 : i32
      %dma_start3A_154 = tpu.memref_slice %arg2[%dma_start3A_152, %dma_start3A_153] : memref<40960x64xf32, #tpu.memory_space<hbm>> -> memref<40960x64xf32, #tpu.memory_space<hbm>>
      tpu.enqueue_indirect_dma source(%dma_start3A_154 : memref<40960x64xf32, #tpu.memory_space<hbm>>) target(%arg9 : memref<160x64xf32, #tpu.memory_space<vmem>>) offsets(%dma_start3A_151 : memref<160xi32, #tpu.memory_space<vmem>>) semaphore(%arg14 : memref<!tpu.dma_semaphore, #tpu.memory_space<semaphore_mem>>)
      %gt3A_155 = arith.constant 0 : i32
      %gt3A_156 = arith.cmpi sgt, %scan3A_130, %gt3A_155 : i32
      %convert_element_type3A_157 = arith.extui %gt3A_156 : i1 to i32
      %cond3A_158 = arith.constant 0 : i32
      %cond3A_159 = arith.cmpi ne, %convert_element_type3A_157, %cond3A_158 : i32
      scf.if %cond3A_159 {
        %dma_wait3A_245 = arith.constant 0 : i32
        %dma_wait3A_246 = arith.constant 0 : i32
        %dma_wait3A_247 = tpu.memref_slice %arg7[%dma_wait3A_245, %dma_wait3A_246] : memref<128x160xi32, #tpu.memory_space<vmem>> -> memref<1x160xi32, #tpu.memory_space<vmem>>
        %dma_wait3A_248 = tpu.memref_squeeze %dma_wait3A_247 : memref<1x160xi32, #tpu.memory_space<vmem>> -> memref<160xi32, #tpu.memory_space<vmem>>
        %dma_wait3A_249 = arith.constant 0 : i32
        %dma_wait3A_250 = arith.constant 0 : i32
        %dma_wait3A_251 = tpu.memref_slice %arg12[%dma_wait3A_249, %dma_wait3A_250] : memref<10240x64xf32, #tpu.memory_space<vmem_shared>> -> memref<10240x64xf32, #tpu.memory_space<vmem_shared>>
        tpu.wait_indirect_dma semaphore(%arg19 : memref<!tpu.dma_semaphore, #tpu.memory_space<semaphore_mem>>) src(%arg10 : memref<160x64xf32, #tpu.memory_space<vmem>>) dst(%dma_wait3A_251 : memref<10240x64xf32, #tpu.memory_space<vmem_shared>>)
      } else {
      }
      %add3A_160 = arith.constant 2 : i32
      %add3A_161 = arith.addi %mul3A_132, %add3A_160 : i32
      %dma_start3A_162 = arith.constant 0 : i32
      %dma_start3A_163 = tpu.memref_slice %arg6[%add3A_161, %dma_start3A_162] : memref<128x160xi32, #tpu.memory_space<vmem>> -> memref<1x160xi32, #tpu.memory_space<vmem>>
      %dma_start3A_164 = tpu.memref_squeeze %dma_start3A_163 : memref<1x160xi32, #tpu.memory_space<vmem>> -> memref<160xi32, #tpu.memory_space<vmem>>
      %dma_start3A_165 = arith.constant 0 : i32
      %dma_start3A_166 = arith.constant 0 : i32
      %dma_start3A_167 = tpu.memref_slice %arg2[%dma_start3A_165, %dma_start3A_166] : memref<40960x64xf32, #tpu.memory_space<hbm>> -> memref<40960x64xf32, #tpu.memory_space<hbm>>
      tpu.enqueue_indirect_dma source(%dma_start3A_167 : memref<40960x64xf32, #tpu.memory_space<hbm>>) target(%arg10 : memref<160x64xf32, #tpu.memory_space<vmem>>) offsets(%dma_start3A_164 : memref<160xi32, #tpu.memory_space<vmem>>) semaphore(%arg15 : memref<!tpu.dma_semaphore, #tpu.memory_space<semaphore_mem>>)
      %gt3A_168 = arith.constant 0 : i32
      %gt3A_169 = arith.cmpi sgt, %scan3A_130, %gt3A_168 : i32
      %convert_element_type3A_170 = arith.extui %gt3A_169 : i1 to i32
      %cond3A_171 = arith.constant 0 : i32
      %cond3A_172 = arith.cmpi ne, %convert_element_type3A_170, %cond3A_171 : i32
      scf.if %cond3A_172 {
        %dma_wait3A_245 = arith.constant 0 : i32
        %dma_wait3A_246 = arith.constant 0 : i32
        %dma_wait3A_247 = tpu.memref_slice %arg7[%dma_wait3A_245, %dma_wait3A_246] : memref<128x160xi32, #tpu.memory_space<vmem>> -> memref<1x160xi32, #tpu.memory_space<vmem>>
        %dma_wait3A_248 = tpu.memref_squeeze %dma_wait3A_247 : memref<1x160xi32, #tpu.memory_space<vmem>> -> memref<160xi32, #tpu.memory_space<vmem>>
        %dma_wait3A_249 = arith.constant 0 : i32
        %dma_wait3A_250 = arith.constant 0 : i32
        %dma_wait3A_251 = tpu.memref_slice %arg12[%dma_wait3A_249, %dma_wait3A_250] : memref<10240x64xf32, #tpu.memory_space<vmem_shared>> -> memref<10240x64xf32, #tpu.memory_space<vmem_shared>>
        tpu.wait_indirect_dma semaphore(%arg20 : memref<!tpu.dma_semaphore, #tpu.memory_space<semaphore_mem>>) src(%arg11 : memref<160x64xf32, #tpu.memory_space<vmem>>) dst(%dma_wait3A_251 : memref<10240x64xf32, #tpu.memory_space<vmem_shared>>)
      } else {
      }
      %add3A_173 = arith.constant 3 : i32
      %add3A_174 = arith.addi %mul3A_132, %add3A_173 : i32
      %dma_start3A_175 = arith.constant 0 : i32
      %dma_start3A_176 = tpu.memref_slice %arg6[%add3A_174, %dma_start3A_175] : memref<128x160xi32, #tpu.memory_space<vmem>> -> memref<1x160xi32, #tpu.memory_space<vmem>>
      %dma_start3A_177 = tpu.memref_squeeze %dma_start3A_176 : memref<1x160xi32, #tpu.memory_space<vmem>> -> memref<160xi32, #tpu.memory_space<vmem>>
      %dma_start3A_178 = arith.constant 0 : i32
      %dma_start3A_179 = arith.constant 0 : i32
      %dma_start3A_180 = tpu.memref_slice %arg2[%dma_start3A_178, %dma_start3A_179] : memref<40960x64xf32, #tpu.memory_space<hbm>> -> memref<40960x64xf32, #tpu.memory_space<hbm>>
      tpu.enqueue_indirect_dma source(%dma_start3A_180 : memref<40960x64xf32, #tpu.memory_space<hbm>>) target(%arg11 : memref<160x64xf32, #tpu.memory_space<vmem>>) offsets(%dma_start3A_177 : memref<160xi32, #tpu.memory_space<vmem>>) semaphore(%arg16 : memref<!tpu.dma_semaphore, #tpu.memory_space<semaphore_mem>>)
      %add3A_181 = arith.constant 0 : i32
      %add3A_182 = arith.addi %mul3A_132, %add3A_181 : i32
      %dma_wait3A_183 = arith.constant 0 : i32
      %dma_wait3A_184 = tpu.memref_slice %arg6[%add3A_182, %dma_wait3A_183] : memref<128x160xi32, #tpu.memory_space<vmem>> -> memref<1x160xi32, #tpu.memory_space<vmem>>
      %dma_wait3A_185 = tpu.memref_squeeze %dma_wait3A_184 : memref<1x160xi32, #tpu.memory_space<vmem>> -> memref<160xi32, #tpu.memory_space<vmem>>
      %dma_wait3A_186 = arith.constant 0 : i32
      %dma_wait3A_187 = arith.constant 0 : i32
      %dma_wait3A_188 = tpu.memref_slice %arg2[%dma_wait3A_186, %dma_wait3A_187] : memref<40960x64xf32, #tpu.memory_space<hbm>> -> memref<40960x64xf32, #tpu.memory_space<hbm>>
      tpu.wait_indirect_dma semaphore(%arg13 : memref<!tpu.dma_semaphore, #tpu.memory_space<semaphore_mem>>) src(%dma_wait3A_188 : memref<40960x64xf32, #tpu.memory_space<hbm>>) dst(%arg8 : memref<160x64xf32, #tpu.memory_space<vmem>>)
      %add3A_189 = arith.constant 0 : i32
      %add3A_190 = arith.addi %mul3A_132, %add3A_189 : i32
      %dma_start3A_191 = arith.constant 0 : i32
      %dma_start3A_192 = tpu.memref_slice %arg7[%add3A_190, %dma_start3A_191] : memref<128x160xi32, #tpu.memory_space<vmem>> -> memref<1x160xi32, #tpu.memory_space<vmem>>
      %dma_start3A_193 = tpu.memref_squeeze %dma_start3A_192 : memref<1x160xi32, #tpu.memory_space<vmem>> -> memref<160xi32, #tpu.memory_space<vmem>>
      %dma_start3A_194 = arith.constant 0 : i32
      %dma_start3A_195 = arith.constant 0 : i32
      %dma_start3A_196 = tpu.memref_slice %arg12[%dma_start3A_194, %dma_start3A_195] : memref<10240x64xf32, #tpu.memory_space<vmem_shared>> -> memref<10240x64xf32, #tpu.memory_space<vmem_shared>>
      tpu.enqueue_indirect_dma source(%arg8 : memref<160x64xf32, #tpu.memory_space<vmem>>) target(%dma_start3A_196 : memref<10240x64xf32, #tpu.memory_space<vmem_shared>>) offsets(%dma_start3A_193 : memref<160xi32, #tpu.memory_space<vmem>>) semaphore(%arg17 : memref<!tpu.dma_semaphore, #tpu.memory_space<semaphore_mem>>) {add = true}
      %add3A_197 = arith.constant 1 : i32
      %add3A_198 = arith.addi %mul3A_132, %add3A_197 : i32
      %dma_wait3A_199 = arith.constant 0 : i32
      %dma_wait3A_200 = tpu.memref_slice %arg6[%add3A_198, %dma_wait3A_199] : memref<128x160xi32, #tpu.memory_space<vmem>> -> memref<1x160xi32, #tpu.memory_space<vmem>>
      %dma_wait3A_201 = tpu.memref_squeeze %dma_wait3A_200 : memref<1x160xi32, #tpu.memory_space<vmem>> -> memref<160xi32, #tpu.memory_space<vmem>>
      %dma_wait3A_202 = arith.constant 0 : i32
      %dma_wait3A_203 = arith.constant 0 : i32
      %dma_wait3A_204 = tpu.memref_slice %arg2[%dma_wait3A_202, %dma_wait3A_203] : memref<40960x64xf32, #tpu.memory_space<hbm>> -> memref<40960x64xf32, #tpu.memory_space<hbm>>
      tpu.wait_indirect_dma semaphore(%arg14 : memref<!tpu.dma_semaphore, #tpu.memory_space<semaphore_mem>>) src(%dma_wait3A_204 : memref<40960x64xf32, #tpu.memory_space<hbm>>) dst(%arg9 : memref<160x64xf32, #tpu.memory_space<vmem>>)
      %add3A_205 = arith.constant 1 : i32
      %add3A_206 = arith.addi %mul3A_132, %add3A_205 : i32
      %dma_start3A_207 = arith.constant 0 : i32
      %dma_start3A_208 = tpu.memref_slice %arg7[%add3A_206, %dma_start3A_207] : memref<128x160xi32, #tpu.memory_space<vmem>> -> memref<1x160xi32, #tpu.memory_space<vmem>>
      %dma_start3A_209 = tpu.memref_squeeze %dma_start3A_208 : memref<1x160xi32, #tpu.memory_space<vmem>> -> memref<160xi32, #tpu.memory_space<vmem>>
      %dma_start3A_210 = arith.constant 0 : i32
      %dma_start3A_211 = arith.constant 0 : i32
      %dma_start3A_212 = tpu.memref_slice %arg12[%dma_start3A_210, %dma_start3A_211] : memref<10240x64xf32, #tpu.memory_space<vmem_shared>> -> memref<10240x64xf32, #tpu.memory_space<vmem_shared>>
      tpu.enqueue_indirect_dma source(%arg9 : memref<160x64xf32, #tpu.memory_space<vmem>>) target(%dma_start3A_212 : memref<10240x64xf32, #tpu.memory_space<vmem_shared>>) offsets(%dma_start3A_209 : memref<160xi32, #tpu.memory_space<vmem>>) semaphore(%arg18 : memref<!tpu.dma_semaphore, #tpu.memory_space<semaphore_mem>>) {add = true}
      %add3A_213 = arith.constant 2 : i32
      %add3A_214 = arith.addi %mul3A_132, %add3A_213 : i32
      %dma_wait3A_215 = arith.constant 0 : i32
      %dma_wait3A_216 = tpu.memref_slice %arg6[%add3A_214, %dma_wait3A_215] : memref<128x160xi32, #tpu.memory_space<vmem>> -> memref<1x160xi32, #tpu.memory_space<vmem>>
      %dma_wait3A_217 = tpu.memref_squeeze %dma_wait3A_216 : memref<1x160xi32, #tpu.memory_space<vmem>> -> memref<160xi32, #tpu.memory_space<vmem>>
      %dma_wait3A_218 = arith.constant 0 : i32
      %dma_wait3A_219 = arith.constant 0 : i32
      %dma_wait3A_220 = tpu.memref_slice %arg2[%dma_wait3A_218, %dma_wait3A_219] : memref<40960x64xf32, #tpu.memory_space<hbm>> -> memref<40960x64xf32, #tpu.memory_space<hbm>>
      tpu.wait_indirect_dma semaphore(%arg15 : memref<!tpu.dma_semaphore, #tpu.memory_space<semaphore_mem>>) src(%dma_wait3A_220 : memref<40960x64xf32, #tpu.memory_space<hbm>>) dst(%arg10 : memref<160x64xf32, #tpu.memory_space<vmem>>)
      %add3A_221 = arith.constant 2 : i32
      %add3A_222 = arith.addi %mul3A_132, %add3A_221 : i32
      %dma_start3A_223 = arith.constant 0 : i32
      %dma_start3A_224 = tpu.memref_slice %arg7[%add3A_222, %dma_start3A_223] : memref<128x160xi32, #tpu.memory_space<vmem>> -> memref<1x160xi32, #tpu.memory_space<vmem>>
      %dma_start3A_225 = tpu.memref_squeeze %dma_start3A_224 : memref<1x160xi32, #tpu.memory_space<vmem>> -> memref<160xi32, #tpu.memory_space<vmem>>
      %dma_start3A_226 = arith.constant 0 : i32
      %dma_start3A_227 = arith.constant 0 : i32
      %dma_start3A_228 = tpu.memref_slice %arg12[%dma_start3A_226, %dma_start3A_227] : memref<10240x64xf32, #tpu.memory_space<vmem_shared>> -> memref<10240x64xf32, #tpu.memory_space<vmem_shared>>
      tpu.enqueue_indirect_dma source(%arg10 : memref<160x64xf32, #tpu.memory_space<vmem>>) target(%dma_start3A_228 : memref<10240x64xf32, #tpu.memory_space<vmem_shared>>) offsets(%dma_start3A_225 : memref<160xi32, #tpu.memory_space<vmem>>) semaphore(%arg19 : memref<!tpu.dma_semaphore, #tpu.memory_space<semaphore_mem>>) {add = true}
      %add3A_229 = arith.constant 3 : i32
      %add3A_230 = arith.addi %mul3A_132, %add3A_229 : i32
      %dma_wait3A_231 = arith.constant 0 : i32
      %dma_wait3A_232 = tpu.memref_slice %arg6[%add3A_230, %dma_wait3A_231] : memref<128x160xi32, #tpu.memory_space<vmem>> -> memref<1x160xi32, #tpu.memory_space<vmem>>
      %dma_wait3A_233 = tpu.memref_squeeze %dma_wait3A_232 : memref<1x160xi32, #tpu.memory_space<vmem>> -> memref<160xi32, #tpu.memory_space<vmem>>
      %dma_wait3A_234 = arith.constant 0 : i32
      %dma_wait3A_235 = arith.constant 0 : i32
      %dma_wait3A_236 = tpu.memref_slice %arg2[%dma_wait3A_234, %dma_wait3A_235] : memref<40960x64xf32, #tpu.memory_space<hbm>> -> memref<40960x64xf32, #tpu.memory_space<hbm>>
      tpu.wait_indirect_dma semaphore(%arg16 : memref<!tpu.dma_semaphore, #tpu.memory_space<semaphore_mem>>) src(%dma_wait3A_236 : memref<40960x64xf32, #tpu.memory_space<hbm>>) dst(%arg11 : memref<160x64xf32, #tpu.memory_space<vmem>>)
      %add3A_237 = arith.constant 3 : i32
      %add3A_238 = arith.addi %mul3A_132, %add3A_237 : i32
      %dma_start3A_239 = arith.constant 0 : i32
      %dma_start3A_240 = tpu.memref_slice %arg7[%add3A_238, %dma_start3A_239] : memref<128x160xi32, #tpu.memory_space<vmem>> -> memref<1x160xi32, #tpu.memory_space<vmem>>
      %dma_start3A_241 = tpu.memref_squeeze %dma_start3A_240 : memref<1x160xi32, #tpu.memory_space<vmem>> -> memref<160xi32, #tpu.memory_space<vmem>>
      %dma_start3A_242 = arith.constant 0 : i32
      %dma_start3A_243 = arith.constant 0 : i32
      %dma_start3A_244 = tpu.memref_slice %arg12[%dma_start3A_242, %dma_start3A_243] : memref<10240x64xf32, #tpu.memory_space<vmem_shared>> -> memref<10240x64xf32, #tpu.memory_space<vmem_shared>>
      tpu.enqueue_indirect_dma source(%arg11 : memref<160x64xf32, #tpu.memory_space<vmem>>) target(%dma_start3A_244 : memref<10240x64xf32, #tpu.memory_space<vmem_shared>>) offsets(%dma_start3A_241 : memref<160xi32, #tpu.memory_space<vmem>>) semaphore(%arg20 : memref<!tpu.dma_semaphore, #tpu.memory_space<semaphore_mem>>) {add = true}
    }
    %scan3A_28 = arith.constant 32 : i32
    %dma_wait3A = arith.constant 0 : i32
    %dma_wait3A_29 = arith.constant 0 : i32
    %dma_wait3A_30 = tpu.memref_slice %arg7[%dma_wait3A, %dma_wait3A_29] : memref<128x160xi32, #tpu.memory_space<vmem>> -> memref<1x160xi32, #tpu.memory_space<vmem>>
    %dma_wait3A_31 = tpu.memref_squeeze %dma_wait3A_30 : memref<1x160xi32, #tpu.memory_space<vmem>> -> memref<160xi32, #tpu.memory_space<vmem>>
    %dma_wait3A_32 = arith.constant 0 : i32
    %dma_wait3A_33 = arith.constant 0 : i32
    %dma_wait3A_34 = tpu.memref_slice %arg12[%dma_wait3A_32, %dma_wait3A_33] : memref<10240x64xf32, #tpu.memory_space<vmem_shared>> -> memref<10240x64xf32, #tpu.memory_space<vmem_shared>>
    tpu.wait_indirect_dma semaphore(%arg17 : memref<!tpu.dma_semaphore, #tpu.memory_space<semaphore_mem>>) src(%arg8 : memref<160x64xf32, #tpu.memory_space<vmem>>) dst(%dma_wait3A_34 : memref<10240x64xf32, #tpu.memory_space<vmem_shared>>)
    %dma_wait3A_35 = arith.constant 0 : i32
    %dma_wait3A_36 = arith.constant 0 : i32
    %dma_wait3A_37 = tpu.memref_slice %arg7[%dma_wait3A_35, %dma_wait3A_36] : memref<128x160xi32, #tpu.memory_space<vmem>> -> memref<1x160xi32, #tpu.memory_space<vmem>>
    %dma_wait3A_38 = tpu.memref_squeeze %dma_wait3A_37 : memref<1x160xi32, #tpu.memory_space<vmem>> -> memref<160xi32, #tpu.memory_space<vmem>>
    %dma_wait3A_39 = arith.constant 0 : i32
    %dma_wait3A_40 = arith.constant 0 : i32
    %dma_wait3A_41 = tpu.memref_slice %arg12[%dma_wait3A_39, %dma_wait3A_40] : memref<10240x64xf32, #tpu.memory_space<vmem_shared>> -> memref<10240x64xf32, #tpu.memory_space<vmem_shared>>
    tpu.wait_indirect_dma semaphore(%arg18 : memref<!tpu.dma_semaphore, #tpu.memory_space<semaphore_mem>>) src(%arg9 : memref<160x64xf32, #tpu.memory_space<vmem>>) dst(%dma_wait3A_41 : memref<10240x64xf32, #tpu.memory_space<vmem_shared>>)
    %dma_wait3A_42 = arith.constant 0 : i32
    %dma_wait3A_43 = arith.constant 0 : i32
    %dma_wait3A_44 = tpu.memref_slice %arg7[%dma_wait3A_42, %dma_wait3A_43] : memref<128x160xi32, #tpu.memory_space<vmem>> -> memref<1x160xi32, #tpu.memory_space<vmem>>
    %dma_wait3A_45 = tpu.memref_squeeze %dma_wait3A_44 : memref<1x160xi32, #tpu.memory_space<vmem>> -> memref<160xi32, #tpu.memory_space<vmem>>
    %dma_wait3A_46 = arith.constant 0 : i32
    %dma_wait3A_47 = arith.constant 0 : i32
    %dma_wait3A_48 = tpu.memref_slice %arg12[%dma_wait3A_46, %dma_wait3A_47] : memref<10240x64xf32, #tpu.memory_space<vmem_shared>> -> memref<10240x64xf32, #tpu.memory_space<vmem_shared>>
    tpu.wait_indirect_dma semaphore(%arg19 : memref<!tpu.dma_semaphore, #tpu.memory_space<semaphore_mem>>) src(%arg10 : memref<160x64xf32, #tpu.memory_space<vmem>>) dst(%dma_wait3A_48 : memref<10240x64xf32, #tpu.memory_space<vmem_shared>>)
    %dma_wait3A_49 = arith.constant 0 : i32
    %dma_wait3A_50 = arith.constant 0 : i32
    %dma_wait3A_51 = tpu.memref_slice %arg7[%dma_wait3A_49, %dma_wait3A_50] : memref<128x160xi32, #tpu.memory_space<vmem>> -> memref<1x160xi32, #tpu.memory_space<vmem>>
    %dma_wait3A_52 = tpu.memref_squeeze %dma_wait3A_51 : memref<1x160xi32, #tpu.memory_space<vmem>> -> memref<160xi32, #tpu.memory_space<vmem>>
    %dma_wait3A_53 = arith.constant 0 : i32
    %dma_wait3A_54 = arith.constant 0 : i32
    %dma_wait3A_55 = tpu.memref_slice %arg12[%dma_wait3A_53, %dma_wait3A_54] : memref<10240x64xf32, #tpu.memory_space<vmem_shared>> -> memref<10240x64xf32, #tpu.memory_space<vmem_shared>>
    tpu.wait_indirect_dma semaphore(%arg20 : memref<!tpu.dma_semaphore, #tpu.memory_space<semaphore_mem>>) src(%arg11 : memref<160x64xf32, #tpu.memory_space<vmem>>) dst(%dma_wait3A_55 : memref<10240x64xf32, #tpu.memory_space<vmem_shared>>)
    %barrier3A_56 = arith.constant 0 : index
    tpu.barrier barrier_id(%barrier3A_56)
    %mul3A_57 = arith.constant 640 : i32
    %mul3A_58 = arith.muli %arg1, %mul3A_57 : i32
    %mul3A_59 = arith.constant 640 : i32
    %mul3A_60 = arith.muli %arg1, %mul3A_59 : i32
    %run_scoped3A = arith.constant 0 : i32
    "tpu.region"() ({
      %run_scoped3A_130 = tpu.sem_alloc : memref<!tpu.dma_semaphore, #tpu.memory_space<semaphore_mem>>
      %dma_start3A = arith.constant 0 : i32
      %dma_start3A_131 = tpu.memref_slice %arg5[%arg0, %run_scoped3A, %mul3A_60, %dma_start3A] : memref<2x2x10240x64xf32, #tpu.memory_space<hbm>> -> memref<1x1x640x64xf32, #tpu.memory_space<hbm>>
      %dma_start3A_132 = tpu.memref_squeeze %dma_start3A_131 : memref<1x1x640x64xf32, #tpu.memory_space<hbm>> -> memref<640x64xf32, #tpu.memory_space<hbm>>
      %dma_start3A_133 = arith.constant 0 : i32
      %dma_start3A_134 = tpu.memref_slice %arg12[%mul3A_58, %dma_start3A_133] : memref<10240x64xf32, #tpu.memory_space<vmem_shared>> -> memref<640x64xf32, #tpu.memory_space<vmem_shared>>
      tpu.enqueue_dma source(%dma_start3A_134 : memref<640x64xf32, #tpu.memory_space<vmem_shared>>) target(%dma_start3A_132 : memref<640x64xf32, #tpu.memory_space<hbm>>) target_semaphore(%run_scoped3A_130 : memref<!tpu.dma_semaphore, #tpu.memory_space<semaphore_mem>>)
      %dma_wait3A_135 = arith.constant 0 : i32
      %dma_wait3A_136 = tpu.memref_slice %arg5[%arg0, %run_scoped3A, %mul3A_60, %dma_wait3A_135] : memref<2x2x10240x64xf32, #tpu.memory_space<hbm>> -> memref<1x1x640x64xf32, #tpu.memory_space<hbm>>
      %dma_wait3A_137 = tpu.memref_squeeze %dma_wait3A_136 : memref<1x1x640x64xf32, #tpu.memory_space<hbm>> -> memref<640x64xf32, #tpu.memory_space<hbm>>
      %dma_wait3A_138 = arith.constant 0 : i32
      %dma_wait3A_139 = tpu.memref_slice %arg12[%mul3A_58, %dma_wait3A_138] : memref<10240x64xf32, #tpu.memory_space<vmem_shared>> -> memref<640x64xf32, #tpu.memory_space<vmem_shared>>
      tpu.wait_dma2 semaphore(%run_scoped3A_130 : memref<!tpu.dma_semaphore, #tpu.memory_space<semaphore_mem>>) src(%dma_wait3A_139 : memref<640x64xf32, #tpu.memory_space<vmem_shared>>) dst(%dma_wait3A_137 : memref<640x64xf32, #tpu.memory_space<hbm>>)
      tpu.yield
    }) : () -> ()
    %scan3A_61 = arith.constant 0 : i32
    %scan3A_62 = arith.constant 0 : i32
    %scan3A_63 = arith.constant 160 : i32
    %scan3A_64 = arith.addi %scan3A_62, %scan3A_63 : i32
    %scan3A_65 = arith.constant 1 : i32
    scf.for %scan3A_130 = %scan3A_62 to %scan3A_64 step %scan3A_65  : i32 {
      %broadcast_in_dim3A = arith.constant 0.000000e+00 : f32
      %broadcast_in_dim3A_131 = vector.broadcast %broadcast_in_dim3A : f32 to vector<16xf32>
      %swap3A = arith.index_cast %scan3A_130 : i32 to index
      %swap3A_132 = arith.constant 0 : index
      %swap3A_133 = tpu.vector_load %arg8[%swap3A, %swap3A_132] {strides = array<i32>} : memref<160x64xf32, #tpu.memory_space<vmem>>, vector<1x16xf32>,
      %swap3A_134 = vector.shape_cast %swap3A_133 : vector<1x16xf32> to vector<16xf32>
      %swap3A_135 = vector.shape_cast %broadcast_in_dim3A_131 : vector<16xf32> to vector<1x16xf32>
      tpu.vector_store %arg8[%swap3A, %swap3A_132], %swap3A_135 {strides = array<i32>} : memref<160x64xf32, #tpu.memory_space<vmem>>, vector<1x16xf32>,
      %broadcast_in_dim3A_136 = arith.constant 0.000000e+00 : f32
      %broadcast_in_dim3A_137 = vector.broadcast %broadcast_in_dim3A_136 : f32 to vector<16xf32>
      %swap3A_138 = arith.index_cast %scan3A_130 : i32 to index
      %swap3A_139 = arith.constant 16 : index
      %swap3A_140 = tpu.vector_load %arg8[%swap3A_138, %swap3A_139] {strides = array<i32>} : memref<160x64xf32, #tpu.memory_space<vmem>>, vector<1x16xf32>,
      %swap3A_141 = vector.shape_cast %swap3A_140 : vector<1x16xf32> to vector<16xf32>
      %swap3A_142 = vector.shape_cast %broadcast_in_dim3A_137 : vector<16xf32> to vector<1x16xf32>
      tpu.vector_store %arg8[%swap3A_138, %swap3A_139], %swap3A_142 {strides = array<i32>} : memref<160x64xf32, #tpu.memory_space<vmem>>, vector<1x16xf32>,
      %broadcast_in_dim3A_143 = arith.constant 0.000000e+00 : f32
      %broadcast_in_dim3A_144 = vector.broadcast %broadcast_in_dim3A_143 : f32 to vector<16xf32>
      %swap3A_145 = arith.index_cast %scan3A_130 : i32 to index
      %swap3A_146 = arith.constant 32 : index
      %swap3A_147 = tpu.vector_load %arg8[%swap3A_145, %swap3A_146] {strides = array<i32>} : memref<160x64xf32, #tpu.memory_space<vmem>>, vector<1x16xf32>,
      %swap3A_148 = vector.shape_cast %swap3A_147 : vector<1x16xf32> to vector<16xf32>
      %swap3A_149 = vector.shape_cast %broadcast_in_dim3A_144 : vector<16xf32> to vector<1x16xf32>
      tpu.vector_store %arg8[%swap3A_145, %swap3A_146], %swap3A_149 {strides = array<i32>} : memref<160x64xf32, #tpu.memory_space<vmem>>, vector<1x16xf32>,
      %broadcast_in_dim3A_150 = arith.constant 0.000000e+00 : f32
      %broadcast_in_dim3A_151 = vector.broadcast %broadcast_in_dim3A_150 : f32 to vector<16xf32>
      %swap3A_152 = arith.index_cast %scan3A_130 : i32 to index
      %swap3A_153 = arith.constant 48 : index
      %swap3A_154 = tpu.vector_load %arg8[%swap3A_152, %swap3A_153] {strides = array<i32>} : memref<160x64xf32, #tpu.memory_space<vmem>>, vector<1x16xf32>,
      %swap3A_155 = vector.shape_cast %swap3A_154 : vector<1x16xf32> to vector<16xf32>
      %swap3A_156 = vector.shape_cast %broadcast_in_dim3A_151 : vector<16xf32> to vector<1x16xf32>
      tpu.vector_store %arg8[%swap3A_152, %swap3A_153], %swap3A_156 {strides = array<i32>} : memref<160x64xf32, #tpu.memory_space<vmem>>, vector<1x16xf32>,
    }
    %scan3A_66 = arith.constant 160 : i32
    %mul3A_67 = arith.constant 640 : i32
    %mul3A_68 = arith.muli %arg1, %mul3A_67 : i32
    %add3A_69 = arith.constant 0 : i32
    %add3A_70 = arith.addi %mul3A_68, %add3A_69 : i32
    "tpu.region"() ({
      %run_scoped3A_130 = tpu.sem_alloc : memref<!tpu.dma_semaphore, #tpu.memory_space<semaphore_mem>>
      %dma_start3A = arith.constant 0 : i32
      %dma_start3A_131 = arith.constant 0 : i32
      %dma_start3A_132 = tpu.memref_slice %arg8[%dma_start3A, %dma_start3A_131] : memref<160x64xf32, #tpu.memory_space<vmem>> -> memref<160x64xf32, #tpu.memory_space<vmem>>
      %dma_start3A_133 = arith.constant 0 : i32
      %dma_start3A_134 = tpu.memref_slice %arg12[%add3A_70, %dma_start3A_133] : memref<10240x64xf32, #tpu.memory_space<vmem_shared>> -> memref<160x64xf32, #tpu.memory_space<vmem_shared>>
      %dma_start3A_135 = arith.constant 0 : i32
      %dma_start3A_136 = tpu.memref_slice %arg12[%add3A_70, %dma_start3A_135] : memref<10240x64xf32, #tpu.memory_space<vmem_shared>> -> memref<160x64xf32, #tpu.memory_space<vmem_shared>>
      %dma_start3A_137 = arith.constant 0 : i32
      %dma_start3A_138 = arith.constant 0 : i32
      %dma_start3A_139 = tpu.memref_slice %arg8[%dma_start3A_137, %dma_start3A_138] : memref<160x64xf32, #tpu.memory_space<vmem>> -> memref<160x64xf32, #tpu.memory_space<vmem>>
      tpu.enqueue_dma source(%dma_start3A_139 : memref<160x64xf32, #tpu.memory_space<vmem>>) target(%dma_start3A_136 : memref<160x64xf32, #tpu.memory_space<vmem_shared>>) target_semaphore(%run_scoped3A_130 : memref<!tpu.dma_semaphore, #tpu.memory_space<semaphore_mem>>)
      %dma_wait3A_140 = arith.constant 0 : i32
      %dma_wait3A_141 = arith.constant 0 : i32
      %dma_wait3A_142 = tpu.memref_slice %arg8[%dma_wait3A_140, %dma_wait3A_141] : memref<160x64xf32, #tpu.memory_space<vmem>> -> memref<160x64xf32, #tpu.memory_space<vmem>>
      %dma_wait3A_143 = arith.constant 0 : i32
      %dma_wait3A_144 = tpu.memref_slice %arg12[%add3A_70, %dma_wait3A_143] : memref<10240x64xf32, #tpu.memory_space<vmem_shared>> -> memref<160x64xf32, #tpu.memory_space<vmem_shared>>
      %dma_wait3A_145 = arith.constant 0 : i32
      %dma_wait3A_146 = tpu.memref_slice %arg12[%add3A_70, %dma_wait3A_145] : memref<10240x64xf32, #tpu.memory_space<vmem_shared>> -> memref<160x64xf32, #tpu.memory_space<vmem_shared>>
      %dma_wait3A_147 = arith.constant 0 : i32
      %dma_wait3A_148 = arith.constant 0 : i32
      %dma_wait3A_149 = tpu.memref_slice %arg8[%dma_wait3A_147, %dma_wait3A_148] : memref<160x64xf32, #tpu.memory_space<vmem>> -> memref<160x64xf32, #tpu.memory_space<vmem>>
      tpu.wait_dma2 semaphore(%run_scoped3A_130 : memref<!tpu.dma_semaphore, #tpu.memory_space<semaphore_mem>>) src(%dma_wait3A_149 : memref<160x64xf32, #tpu.memory_space<vmem>>) dst(%dma_wait3A_146 : memref<160x64xf32, #tpu.memory_space<vmem_shared>>)
      tpu.yield
    }) : () -> ()
    %mul3A_71 = arith.constant 640 : i32
    %mul3A_72 = arith.muli %arg1, %mul3A_71 : i32
    %add3A_73 = arith.constant 160 : i32
    %add3A_74 = arith.addi %mul3A_72, %add3A_73 : i32
    "tpu.region"() ({
      %run_scoped3A_130 = tpu.sem_alloc : memref<!tpu.dma_semaphore, #tpu.memory_space<semaphore_mem>>
      %dma_start3A = arith.constant 0 : i32
      %dma_start3A_131 = arith.constant 0 : i32
      %dma_start3A_132 = tpu.memref_slice %arg8[%dma_start3A, %dma_start3A_131] : memref<160x64xf32, #tpu.memory_space<vmem>> -> memref<160x64xf32, #tpu.memory_space<vmem>>
      %dma_start3A_133 = arith.constant 0 : i32
      %dma_start3A_134 = tpu.memref_slice %arg12[%add3A_74, %dma_start3A_133] : memref<10240x64xf32, #tpu.memory_space<vmem_shared>> -> memref<160x64xf32, #tpu.memory_space<vmem_shared>>
      %dma_start3A_135 = arith.constant 0 : i32
      %dma_start3A_136 = tpu.memref_slice %arg12[%add3A_74, %dma_start3A_135] : memref<10240x64xf32, #tpu.memory_space<vmem_shared>> -> memref<160x64xf32, #tpu.memory_space<vmem_shared>>
      %dma_start3A_137 = arith.constant 0 : i32
      %dma_start3A_138 = arith.constant 0 : i32
      %dma_start3A_139 = tpu.memref_slice %arg8[%dma_start3A_137, %dma_start3A_138] : memref<160x64xf32, #tpu.memory_space<vmem>> -> memref<160x64xf32, #tpu.memory_space<vmem>>
      tpu.enqueue_dma source(%dma_start3A_139 : memref<160x64xf32, #tpu.memory_space<vmem>>) target(%dma_start3A_136 : memref<160x64xf32, #tpu.memory_space<vmem_shared>>) target_semaphore(%run_scoped3A_130 : memref<!tpu.dma_semaphore, #tpu.memory_space<semaphore_mem>>)
      %dma_wait3A_140 = arith.constant 0 : i32
      %dma_wait3A_141 = arith.constant 0 : i32
      %dma_wait3A_142 = tpu.memref_slice %arg8[%dma_wait3A_140, %dma_wait3A_141] : memref<160x64xf32, #tpu.memory_space<vmem>> -> memref<160x64xf32, #tpu.memory_space<vmem>>
      %dma_wait3A_143 = arith.constant 0 : i32
      %dma_wait3A_144 = tpu.memref_slice %arg12[%add3A_74, %dma_wait3A_143] : memref<10240x64xf32, #tpu.memory_space<vmem_shared>> -> memref<160x64xf32, #tpu.memory_space<vmem_shared>>
      %dma_wait3A_145 = arith.constant 0 : i32
      %dma_wait3A_146 = tpu.memref_slice %arg12[%add3A_74, %dma_wait3A_145] : memref<10240x64xf32, #tpu.memory_space<vmem_shared>> -> memref<160x64xf32, #tpu.memory_space<vmem_shared>>
      %dma_wait3A_147 = arith.constant 0 : i32
      %dma_wait3A_148 = arith.constant 0 : i32
      %dma_wait3A_149 = tpu.memref_slice %arg8[%dma_wait3A_147, %dma_wait3A_148] : memref<160x64xf32, #tpu.memory_space<vmem>> -> memref<160x64xf32, #tpu.memory_space<vmem>>
      tpu.wait_dma2 semaphore(%run_scoped3A_130 : memref<!tpu.dma_semaphore, #tpu.memory_space<semaphore_mem>>) src(%dma_wait3A_149 : memref<160x64xf32, #tpu.memory_space<vmem>>) dst(%dma_wait3A_146 : memref<160x64xf32, #tpu.memory_space<vmem_shared>>)
      tpu.yield
    }) : () -> ()
    %mul3A_75 = arith.constant 640 : i32
    %mul3A_76 = arith.muli %arg1, %mul3A_75 : i32
    %add3A_77 = arith.constant 320 : i32
    %add3A_78 = arith.addi %mul3A_76, %add3A_77 : i32
    "tpu.region"() ({
      %run_scoped3A_130 = tpu.sem_alloc : memref<!tpu.dma_semaphore, #tpu.memory_space<semaphore_mem>>
      %dma_start3A = arith.constant 0 : i32
      %dma_start3A_131 = arith.constant 0 : i32
      %dma_start3A_132 = tpu.memref_slice %arg8[%dma_start3A, %dma_start3A_131] : memref<160x64xf32, #tpu.memory_space<vmem>> -> memref<160x64xf32, #tpu.memory_space<vmem>>
      %dma_start3A_133 = arith.constant 0 : i32
      %dma_start3A_134 = tpu.memref_slice %arg12[%add3A_78, %dma_start3A_133] : memref<10240x64xf32, #tpu.memory_space<vmem_shared>> -> memref<160x64xf32, #tpu.memory_space<vmem_shared>>
      %dma_start3A_135 = arith.constant 0 : i32
      %dma_start3A_136 = tpu.memref_slice %arg12[%add3A_78, %dma_start3A_135] : memref<10240x64xf32, #tpu.memory_space<vmem_shared>> -> memref<160x64xf32, #tpu.memory_space<vmem_shared>>
      %dma_start3A_137 = arith.constant 0 : i32
      %dma_start3A_138 = arith.constant 0 : i32
      %dma_start3A_139 = tpu.memref_slice %arg8[%dma_start3A_137, %dma_start3A_138] : memref<160x64xf32, #tpu.memory_space<vmem>> -> memref<160x64xf32, #tpu.memory_space<vmem>>
      tpu.enqueue_dma source(%dma_start3A_139 : memref<160x64xf32, #tpu.memory_space<vmem>>) target(%dma_start3A_136 : memref<160x64xf32, #tpu.memory_space<vmem_shared>>) target_semaphore(%run_scoped3A_130 : memref<!tpu.dma_semaphore, #tpu.memory_space<semaphore_mem>>)
      %dma_wait3A_140 = arith.constant 0 : i32
      %dma_wait3A_141 = arith.constant 0 : i32
      %dma_wait3A_142 = tpu.memref_slice %arg8[%dma_wait3A_140, %dma_wait3A_141] : memref<160x64xf32, #tpu.memory_space<vmem>> -> memref<160x64xf32, #tpu.memory_space<vmem>>
      %dma_wait3A_143 = arith.constant 0 : i32
      %dma_wait3A_144 = tpu.memref_slice %arg12[%add3A_78, %dma_wait3A_143] : memref<10240x64xf32, #tpu.memory_space<vmem_shared>> -> memref<160x64xf32, #tpu.memory_space<vmem_shared>>
      %dma_wait3A_145 = arith.constant 0 : i32
      %dma_wait3A_146 = tpu.memref_slice %arg12[%add3A_78, %dma_wait3A_145] : memref<10240x64xf32, #tpu.memory_space<vmem_shared>> -> memref<160x64xf32, #tpu.memory_space<vmem_shared>>
      %dma_wait3A_147 = arith.constant 0 : i32
      %dma_wait3A_148 = arith.constant 0 : i32
      %dma_wait3A_149 = tpu.memref_slice %arg8[%dma_wait3A_147, %dma_wait3A_148] : memref<160x64xf32, #tpu.memory_space<vmem>> -> memref<160x64xf32, #tpu.memory_space<vmem>>
      tpu.wait_dma2 semaphore(%run_scoped3A_130 : memref<!tpu.dma_semaphore, #tpu.memory_space<semaphore_mem>>) src(%dma_wait3A_149 : memref<160x64xf32, #tpu.memory_space<vmem>>) dst(%dma_wait3A_146 : memref<160x64xf32, #tpu.memory_space<vmem_shared>>)
      tpu.yield
    }) : () -> ()
    %mul3A_79 = arith.constant 640 : i32
    %mul3A_80 = arith.muli %arg1, %mul3A_79 : i32
    %add3A_81 = arith.constant 480 : i32
    %add3A_82 = arith.addi %mul3A_80, %add3A_81 : i32
    "tpu.region"() ({
      %run_scoped3A_130 = tpu.sem_alloc : memref<!tpu.dma_semaphore, #tpu.memory_space<semaphore_mem>>
      %dma_start3A = arith.constant 0 : i32
      %dma_start3A_131 = arith.constant 0 : i32
      %dma_start3A_132 = tpu.memref_slice %arg8[%dma_start3A, %dma_start3A_131] : memref<160x64xf32, #tpu.memory_space<vmem>> -> memref<160x64xf32, #tpu.memory_space<vmem>>
      %dma_start3A_133 = arith.constant 0 : i32
      %dma_start3A_134 = tpu.memref_slice %arg12[%add3A_82, %dma_start3A_133] : memref<10240x64xf32, #tpu.memory_space<vmem_shared>> -> memref<160x64xf32, #tpu.memory_space<vmem_shared>>
      %dma_start3A_135 = arith.constant 0 : i32
      %dma_start3A_136 = tpu.memref_slice %arg12[%add3A_82, %dma_start3A_135] : memref<10240x64xf32, #tpu.memory_space<vmem_shared>> -> memref<160x64xf32, #tpu.memory_space<vmem_shared>>
      %dma_start3A_137 = arith.constant 0 : i32
      %dma_start3A_138 = arith.constant 0 : i32
      %dma_start3A_139 = tpu.memref_slice %arg8[%dma_start3A_137, %dma_start3A_138] : memref<160x64xf32, #tpu.memory_space<vmem>> -> memref<160x64xf32, #tpu.memory_space<vmem>>
      tpu.enqueue_dma source(%dma_start3A_139 : memref<160x64xf32, #tpu.memory_space<vmem>>) target(%dma_start3A_136 : memref<160x64xf32, #tpu.memory_space<vmem_shared>>) target_semaphore(%run_scoped3A_130 : memref<!tpu.dma_semaphore, #tpu.memory_space<semaphore_mem>>)
      %dma_wait3A_140 = arith.constant 0 : i32
      %dma_wait3A_141 = arith.constant 0 : i32
      %dma_wait3A_142 = tpu.memref_slice %arg8[%dma_wait3A_140, %dma_wait3A_141] : memref<160x64xf32, #tpu.memory_space<vmem>> -> memref<160x64xf32, #tpu.memory_space<vmem>>
      %dma_wait3A_143 = arith.constant 0 : i32
      %dma_wait3A_144 = tpu.memref_slice %arg12[%add3A_82, %dma_wait3A_143] : memref<10240x64xf32, #tpu.memory_space<vmem_shared>> -> memref<160x64xf32, #tpu.memory_space<vmem_shared>>
      %dma_wait3A_145 = arith.constant 0 : i32
      %dma_wait3A_146 = tpu.memref_slice %arg12[%add3A_82, %dma_wait3A_145] : memref<10240x64xf32, #tpu.memory_space<vmem_shared>> -> memref<160x64xf32, #tpu.memory_space<vmem_shared>>
      %dma_wait3A_147 = arith.constant 0 : i32
      %dma_wait3A_148 = arith.constant 0 : i32
      %dma_wait3A_149 = tpu.memref_slice %arg8[%dma_wait3A_147, %dma_wait3A_148] : memref<160x64xf32, #tpu.memory_space<vmem>> -> memref<160x64xf32, #tpu.memory_space<vmem>>
      tpu.wait_dma2 semaphore(%run_scoped3A_130 : memref<!tpu.dma_semaphore, #tpu.memory_space<semaphore_mem>>) src(%dma_wait3A_149 : memref<160x64xf32, #tpu.memory_space<vmem>>) dst(%dma_wait3A_146 : memref<160x64xf32, #tpu.memory_space<vmem_shared>>)
      tpu.yield
    }) : () -> ()
    %scan3A_83 = arith.constant 0 : i32
    %scan3A_84 = arith.constant 0 : i32
    %scan3A_85 = arith.constant 128 : i32
    %scan3A_86 = arith.addi %scan3A_84, %scan3A_85 : i32
    %scan3A_87 = arith.constant 1 : i32
    scf.for %scan3A_130 = %scan3A_84 to %scan3A_86 step %scan3A_87  : i32 {
      %get3A = arith.index_cast %scan3A_130 : i32 to index
      %get3A_131 = arith.constant 0 : index
      %get3A_132 = tpu.vector_load %arg6[%get3A, %get3A_131] {strides = array<i32>} : memref<128x160xi32, #tpu.memory_space<vmem>>, vector<1x16xi32>,
      %get3A_133 = vector.shape_cast %get3A_132 : vector<1x16xi32> to vector<16xi32>
      %add3A_134 = arith.constant 1 : i32
      %add3A_135 = vector.broadcast %add3A_134 : i32 to vector<16xi32>
      %add3A_136 = arith.addi %get3A_133, %add3A_135 : vector<16xi32>
      %swap3A = arith.index_cast %scan3A_130 : i32 to index
      %swap3A_137 = arith.constant 0 : index
      %swap3A_138 = tpu.vector_load %arg6[%swap3A, %swap3A_137] {strides = array<i32>} : memref<128x160xi32, #tpu.memory_space<vmem>>, vector<1x16xi32>,
      %swap3A_139 = vector.shape_cast %swap3A_138 : vector<1x16xi32> to vector<16xi32>
      %swap3A_140 = vector.shape_cast %add3A_136 : vector<16xi32> to vector<1x16xi32>
      tpu.vector_store %arg6[%swap3A, %swap3A_137], %swap3A_140 {strides = array<i32>} : memref<128x160xi32, #tpu.memory_space<vmem>>, vector<1x16xi32>,
      %get3A_141 = arith.index_cast %scan3A_130 : i32 to index
      %get3A_142 = arith.constant 16 : index
      %get3A_143 = tpu.vector_load %arg6[%get3A_141, %get3A_142] {strides = array<i32>} : memref<128x160xi32, #tpu.memory_space<vmem>>, vector<1x16xi32>,
      %get3A_144 = vector.shape_cast %get3A_143 : vector<1x16xi32> to vector<16xi32>
      %add3A_145 = arith.constant 1 : i32
      %add3A_146 = vector.broadcast %add3A_145 : i32 to vector<16xi32>
      %add3A_147 = arith.addi %get3A_144, %add3A_146 : vector<16xi32>
      %swap3A_148 = arith.index_cast %scan3A_130 : i32 to index
      %swap3A_149 = arith.constant 16 : index
      %swap3A_150 = tpu.vector_load %arg6[%swap3A_148, %swap3A_149] {strides = array<i32>} : memref<128x160xi32, #tpu.memory_space<vmem>>, vector<1x16xi32>,
      %swap3A_151 = vector.shape_cast %swap3A_150 : vector<1x16xi32> to vector<16xi32>
      %swap3A_152 = vector.shape_cast %add3A_147 : vector<16xi32> to vector<1x16xi32>
      tpu.vector_store %arg6[%swap3A_148, %swap3A_149], %swap3A_152 {strides = array<i32>} : memref<128x160xi32, #tpu.memory_space<vmem>>, vector<1x16xi32>,
      %get3A_153 = arith.index_cast %scan3A_130 : i32 to index
      %get3A_154 = arith.constant 32 : index
      %get3A_155 = tpu.vector_load %arg6[%get3A_153, %get3A_154] {strides = array<i32>} : memref<128x160xi32, #tpu.memory_space<vmem>>, vector<1x16xi32>,
      %get3A_156 = vector.shape_cast %get3A_155 : vector<1x16xi32> to vector<16xi32>
      %add3A_157 = arith.constant 1 : i32
      %add3A_158 = vector.broadcast %add3A_157 : i32 to vector<16xi32>
      %add3A_159 = arith.addi %get3A_156, %add3A_158 : vector<16xi32>
      %swap3A_160 = arith.index_cast %scan3A_130 : i32 to index
      %swap3A_161 = arith.constant 32 : index
      %swap3A_162 = tpu.vector_load %arg6[%swap3A_160, %swap3A_161] {strides = array<i32>} : memref<128x160xi32, #tpu.memory_space<vmem>>, vector<1x16xi32>,
      %swap3A_163 = vector.shape_cast %swap3A_162 : vector<1x16xi32> to vector<16xi32>
      %swap3A_164 = vector.shape_cast %add3A_159 : vector<16xi32> to vector<1x16xi32>
      tpu.vector_store %arg6[%swap3A_160, %swap3A_161], %swap3A_164 {strides = array<i32>} : memref<128x160xi32, #tpu.memory_space<vmem>>, vector<1x16xi32>,
      %get3A_165 = arith.index_cast %scan3A_130 : i32 to index
      %get3A_166 = arith.constant 48 : index
      %get3A_167 = tpu.vector_load %arg6[%get3A_165, %get3A_166] {strides = array<i32>} : memref<128x160xi32, #tpu.memory_space<vmem>>, vector<1x16xi32>,
      %get3A_168 = vector.shape_cast %get3A_167 : vector<1x16xi32> to vector<16xi32>
      %add3A_169 = arith.constant 1 : i32
      %add3A_170 = vector.broadcast %add3A_169 : i32 to vector<16xi32>
      %add3A_171 = arith.addi %get3A_168, %add3A_170 : vector<16xi32>
      %swap3A_172 = arith.index_cast %scan3A_130 : i32 to index
      %swap3A_173 = arith.constant 48 : index
      %swap3A_174 = tpu.vector_load %arg6[%swap3A_172, %swap3A_173] {strides = array<i32>} : memref<128x160xi32, #tpu.memory_space<vmem>>, vector<1x16xi32>,
      %swap3A_175 = vector.shape_cast %swap3A_174 : vector<1x16xi32> to vector<16xi32>
      %swap3A_176 = vector.shape_cast %add3A_171 : vector<16xi32> to vector<1x16xi32>
      tpu.vector_store %arg6[%swap3A_172, %swap3A_173], %swap3A_176 {strides = array<i32>} : memref<128x160xi32, #tpu.memory_space<vmem>>, vector<1x16xi32>,
      %get3A_177 = arith.index_cast %scan3A_130 : i32 to index
      %get3A_178 = arith.constant 64 : index
      %get3A_179 = tpu.vector_load %arg6[%get3A_177, %get3A_178] {strides = array<i32>} : memref<128x160xi32, #tpu.memory_space<vmem>>, vector<1x16xi32>,
      %get3A_180 = vector.shape_cast %get3A_179 : vector<1x16xi32> to vector<16xi32>
      %add3A_181 = arith.constant 1 : i32
      %add3A_182 = vector.broadcast %add3A_181 : i32 to vector<16xi32>
      %add3A_183 = arith.addi %get3A_180, %add3A_182 : vector<16xi32>
      %swap3A_184 = arith.index_cast %scan3A_130 : i32 to index
      %swap3A_185 = arith.constant 64 : index
      %swap3A_186 = tpu.vector_load %arg6[%swap3A_184, %swap3A_185] {strides = array<i32>} : memref<128x160xi32, #tpu.memory_space<vmem>>, vector<1x16xi32>,
      %swap3A_187 = vector.shape_cast %swap3A_186 : vector<1x16xi32> to vector<16xi32>
      %swap3A_188 = vector.shape_cast %add3A_183 : vector<16xi32> to vector<1x16xi32>
      tpu.vector_store %arg6[%swap3A_184, %swap3A_185], %swap3A_188 {strides = array<i32>} : memref<128x160xi32, #tpu.memory_space<vmem>>, vector<1x16xi32>,
      %get3A_189 = arith.index_cast %scan3A_130 : i32 to index
      %get3A_190 = arith.constant 80 : index
      %get3A_191 = tpu.vector_load %arg6[%get3A_189, %get3A_190] {strides = array<i32>} : memref<128x160xi32, #tpu.memory_space<vmem>>, vector<1x16xi32>,
      %get3A_192 = vector.shape_cast %get3A_191 : vector<1x16xi32> to vector<16xi32>
      %add3A_193 = arith.constant 1 : i32
      %add3A_194 = vector.broadcast %add3A_193 : i32 to vector<16xi32>
      %add3A_195 = arith.addi %get3A_192, %add3A_194 : vector<16xi32>
      %swap3A_196 = arith.index_cast %scan3A_130 : i32 to index
      %swap3A_197 = arith.constant 80 : index
      %swap3A_198 = tpu.vector_load %arg6[%swap3A_196, %swap3A_197] {strides = array<i32>} : memref<128x160xi32, #tpu.memory_space<vmem>>, vector<1x16xi32>,
      %swap3A_199 = vector.shape_cast %swap3A_198 : vector<1x16xi32> to vector<16xi32>
      %swap3A_200 = vector.shape_cast %add3A_195 : vector<16xi32> to vector<1x16xi32>
      tpu.vector_store %arg6[%swap3A_196, %swap3A_197], %swap3A_200 {strides = array<i32>} : memref<128x160xi32, #tpu.memory_space<vmem>>, vector<1x16xi32>,
      %get3A_201 = arith.index_cast %scan3A_130 : i32 to index
      %get3A_202 = arith.constant 96 : index
      %get3A_203 = tpu.vector_load %arg6[%get3A_201, %get3A_202] {strides = array<i32>} : memref<128x160xi32, #tpu.memory_space<vmem>>, vector<1x16xi32>,
      %get3A_204 = vector.shape_cast %get3A_203 : vector<1x16xi32> to vector<16xi32>
      %add3A_205 = arith.constant 1 : i32
      %add3A_206 = vector.broadcast %add3A_205 : i32 to vector<16xi32>
      %add3A_207 = arith.addi %get3A_204, %add3A_206 : vector<16xi32>
      %swap3A_208 = arith.index_cast %scan3A_130 : i32 to index
      %swap3A_209 = arith.constant 96 : index
      %swap3A_210 = tpu.vector_load %arg6[%swap3A_208, %swap3A_209] {strides = array<i32>} : memref<128x160xi32, #tpu.memory_space<vmem>>, vector<1x16xi32>,
      %swap3A_211 = vector.shape_cast %swap3A_210 : vector<1x16xi32> to vector<16xi32>
      %swap3A_212 = vector.shape_cast %add3A_207 : vector<16xi32> to vector<1x16xi32>
      tpu.vector_store %arg6[%swap3A_208, %swap3A_209], %swap3A_212 {strides = array<i32>} : memref<128x160xi32, #tpu.memory_space<vmem>>, vector<1x16xi32>,
      %get3A_213 = arith.index_cast %scan3A_130 : i32 to index
      %get3A_214 = arith.constant 112 : index
      %get3A_215 = tpu.vector_load %arg6[%get3A_213, %get3A_214] {strides = array<i32>} : memref<128x160xi32, #tpu.memory_space<vmem>>, vector<1x16xi32>,
      %get3A_216 = vector.shape_cast %get3A_215 : vector<1x16xi32> to vector<16xi32>
      %add3A_217 = arith.constant 1 : i32
      %add3A_218 = vector.broadcast %add3A_217 : i32 to vector<16xi32>
      %add3A_219 = arith.addi %get3A_216, %add3A_218 : vector<16xi32>
      %swap3A_220 = arith.index_cast %scan3A_130 : i32 to index
      %swap3A_221 = arith.constant 112 : index
      %swap3A_222 = tpu.vector_load %arg6[%swap3A_220, %swap3A_221] {strides = array<i32>} : memref<128x160xi32, #tpu.memory_space<vmem>>, vector<1x16xi32>,
      %swap3A_223 = vector.shape_cast %swap3A_222 : vector<1x16xi32> to vector<16xi32>
      %swap3A_224 = vector.shape_cast %add3A_219 : vector<16xi32> to vector<1x16xi32>
      tpu.vector_store %arg6[%swap3A_220, %swap3A_221], %swap3A_224 {strides = array<i32>} : memref<128x160xi32, #tpu.memory_space<vmem>>, vector<1x16xi32>,
      %get3A_225 = arith.index_cast %scan3A_130 : i32 to index
      %get3A_226 = arith.constant 128 : index
      %get3A_227 = tpu.vector_load %arg6[%get3A_225, %get3A_226] {strides = array<i32>} : memref<128x160xi32, #tpu.memory_space<vmem>>, vector<1x16xi32>,
      %get3A_228 = vector.shape_cast %get3A_227 : vector<1x16xi32> to vector<16xi32>
      %add3A_229 = arith.constant 1 : i32
      %add3A_230 = vector.broadcast %add3A_229 : i32 to vector<16xi32>
      %add3A_231 = arith.addi %get3A_228, %add3A_230 : vector<16xi32>
      %swap3A_232 = arith.index_cast %scan3A_130 : i32 to index
      %swap3A_233 = arith.constant 128 : index
      %swap3A_234 = tpu.vector_load %arg6[%swap3A_232, %swap3A_233] {strides = array<i32>} : memref<128x160xi32, #tpu.memory_space<vmem>>, vector<1x16xi32>,
      %swap3A_235 = vector.shape_cast %swap3A_234 : vector<1x16xi32> to vector<16xi32>
      %swap3A_236 = vector.shape_cast %add3A_231 : vector<16xi32> to vector<1x16xi32>
      tpu.vector_store %arg6[%swap3A_232, %swap3A_233], %swap3A_236 {strides = array<i32>} : memref<128x160xi32, #tpu.memory_space<vmem>>, vector<1x16xi32>,
      %get3A_237 = arith.index_cast %scan3A_130 : i32 to index
      %get3A_238 = arith.constant 144 : index
      %get3A_239 = tpu.vector_load %arg6[%get3A_237, %get3A_238] {strides = array<i32>} : memref<128x160xi32, #tpu.memory_space<vmem>>, vector<1x16xi32>,
      %get3A_240 = vector.shape_cast %get3A_239 : vector<1x16xi32> to vector<16xi32>
      %add3A_241 = arith.constant 1 : i32
      %add3A_242 = vector.broadcast %add3A_241 : i32 to vector<16xi32>
      %add3A_243 = arith.addi %get3A_240, %add3A_242 : vector<16xi32>
      %swap3A_244 = arith.index_cast %scan3A_130 : i32 to index
      %swap3A_245 = arith.constant 144 : index
      %swap3A_246 = tpu.vector_load %arg6[%swap3A_244, %swap3A_245] {strides = array<i32>} : memref<128x160xi32, #tpu.memory_space<vmem>>, vector<1x16xi32>,
      %swap3A_247 = vector.shape_cast %swap3A_246 : vector<1x16xi32> to vector<16xi32>
      %swap3A_248 = vector.shape_cast %add3A_243 : vector<16xi32> to vector<1x16xi32>
      tpu.vector_store %arg6[%swap3A_244, %swap3A_245], %swap3A_248 {strides = array<i32>} : memref<128x160xi32, #tpu.memory_space<vmem>>, vector<1x16xi32>,
    }
    %scan3A_88 = arith.constant 128 : i32
    %barrier3A_89 = arith.constant 0 : index
    tpu.barrier barrier_id(%barrier3A_89)
    %scan3A_90 = arith.constant 0 : i32
    %scan3A_91 = arith.constant 0 : i32
    %scan3A_92 = arith.constant 32 : i32
    %scan3A_93 = arith.addi %scan3A_91, %scan3A_92 : i32
    %scan3A_94 = arith.constant 1 : i32
    scf.for %scan3A_130 = %scan3A_91 to %scan3A_93 step %scan3A_94  : i32 {
      %mul3A_131 = arith.constant 4 : i32
      %mul3A_132 = arith.muli %mul3A_131, %scan3A_130 : i32
      %gt3A = arith.constant 0 : i32
      %gt3A_133 = arith.cmpi sgt, %scan3A_130, %gt3A : i32
      %convert_element_type3A = arith.extui %gt3A_133 : i1 to i32
      %cond3A = arith.constant 0 : i32
      %cond3A_134 = arith.cmpi ne, %convert_element_type3A, %cond3A : i32
      scf.if %cond3A_134 {
        %dma_wait3A_245 = arith.constant 0 : i32
        %dma_wait3A_246 = arith.constant 0 : i32
        %dma_wait3A_247 = tpu.memref_slice %arg7[%dma_wait3A_245, %dma_wait3A_246] : memref<128x160xi32, #tpu.memory_space<vmem>> -> memref<1x160xi32, #tpu.memory_space<vmem>>
        %dma_wait3A_248 = tpu.memref_squeeze %dma_wait3A_247 : memref<1x160xi32, #tpu.memory_space<vmem>> -> memref<160xi32, #tpu.memory_space<vmem>>
        %dma_wait3A_249 = arith.constant 0 : i32
        %dma_wait3A_250 = arith.constant 0 : i32
        %dma_wait3A_251 = tpu.memref_slice %arg12[%dma_wait3A_249, %dma_wait3A_250] : memref<10240x64xf32, #tpu.memory_space<vmem_shared>> -> memref<10240x64xf32, #tpu.memory_space<vmem_shared>>
        tpu.wait_indirect_dma semaphore(%arg17 : memref<!tpu.dma_semaphore, #tpu.memory_space<semaphore_mem>>) src(%arg8 : memref<160x64xf32, #tpu.memory_space<vmem>>) dst(%dma_wait3A_251 : memref<10240x64xf32, #tpu.memory_space<vmem_shared>>)
      } else {
      }
      %add3A_135 = arith.constant 0 : i32
      %add3A_136 = arith.addi %mul3A_132, %add3A_135 : i32
      %dma_start3A = arith.constant 0 : i32
      %dma_start3A_137 = tpu.memref_slice %arg6[%add3A_136, %dma_start3A] : memref<128x160xi32, #tpu.memory_space<vmem>> -> memref<1x160xi32, #tpu.memory_space<vmem>>
      %dma_start3A_138 = tpu.memref_squeeze %dma_start3A_137 : memref<1x160xi32, #tpu.memory_space<vmem>> -> memref<160xi32, #tpu.memory_space<vmem>>
      %dma_start3A_139 = arith.constant 0 : i32
      %dma_start3A_140 = arith.constant 0 : i32
      %dma_start3A_141 = tpu.memref_slice %arg2[%dma_start3A_139, %dma_start3A_140] : memref<40960x64xf32, #tpu.memory_space<hbm>> -> memref<40960x64xf32, #tpu.memory_space<hbm>>
      tpu.enqueue_indirect_dma source(%dma_start3A_141 : memref<40960x64xf32, #tpu.memory_space<hbm>>) target(%arg8 : memref<160x64xf32, #tpu.memory_space<vmem>>) offsets(%dma_start3A_138 : memref<160xi32, #tpu.memory_space<vmem>>) semaphore(%arg13 : memref<!tpu.dma_semaphore, #tpu.memory_space<semaphore_mem>>)
      %gt3A_142 = arith.constant 0 : i32
      %gt3A_143 = arith.cmpi sgt, %scan3A_130, %gt3A_142 : i32
      %convert_element_type3A_144 = arith.extui %gt3A_143 : i1 to i32
      %cond3A_145 = arith.constant 0 : i32
      %cond3A_146 = arith.cmpi ne, %convert_element_type3A_144, %cond3A_145 : i32
      scf.if %cond3A_146 {
        %dma_wait3A_245 = arith.constant 0 : i32
        %dma_wait3A_246 = arith.constant 0 : i32
        %dma_wait3A_247 = tpu.memref_slice %arg7[%dma_wait3A_245, %dma_wait3A_246] : memref<128x160xi32, #tpu.memory_space<vmem>> -> memref<1x160xi32, #tpu.memory_space<vmem>>
        %dma_wait3A_248 = tpu.memref_squeeze %dma_wait3A_247 : memref<1x160xi32, #tpu.memory_space<vmem>> -> memref<160xi32, #tpu.memory_space<vmem>>
        %dma_wait3A_249 = arith.constant 0 : i32
        %dma_wait3A_250 = arith.constant 0 : i32
        %dma_wait3A_251 = tpu.memref_slice %arg12[%dma_wait3A_249, %dma_wait3A_250] : memref<10240x64xf32, #tpu.memory_space<vmem_shared>> -> memref<10240x64xf32, #tpu.memory_space<vmem_shared>>
        tpu.wait_indirect_dma semaphore(%arg18 : memref<!tpu.dma_semaphore, #tpu.memory_space<semaphore_mem>>) src(%arg9 : memref<160x64xf32, #tpu.memory_space<vmem>>) dst(%dma_wait3A_251 : memref<10240x64xf32, #tpu.memory_space<vmem_shared>>)
      } else {
      }
      %add3A_147 = arith.constant 1 : i32
      %add3A_148 = arith.addi %mul3A_132, %add3A_147 : i32
      %dma_start3A_149 = arith.constant 0 : i32
      %dma_start3A_150 = tpu.memref_slice %arg6[%add3A_148, %dma_start3A_149] : memref<128x160xi32, #tpu.memory_space<vmem>> -> memref<1x160xi32, #tpu.memory_space<vmem>>
      %dma_start3A_151 = tpu.memref_squeeze %dma_start3A_150 : memref<1x160xi32, #tpu.memory_space<vmem>> -> memref<160xi32, #tpu.memory_space<vmem>>
      %dma_start3A_152 = arith.constant 0 : i32
      %dma_start3A_153 = arith.constant 0 : i32
      %dma_start3A_154 = tpu.memref_slice %arg2[%dma_start3A_152, %dma_start3A_153] : memref<40960x64xf32, #tpu.memory_space<hbm>> -> memref<40960x64xf32, #tpu.memory_space<hbm>>
      tpu.enqueue_indirect_dma source(%dma_start3A_154 : memref<40960x64xf32, #tpu.memory_space<hbm>>) target(%arg9 : memref<160x64xf32, #tpu.memory_space<vmem>>) offsets(%dma_start3A_151 : memref<160xi32, #tpu.memory_space<vmem>>) semaphore(%arg14 : memref<!tpu.dma_semaphore, #tpu.memory_space<semaphore_mem>>)
      %gt3A_155 = arith.constant 0 : i32
      %gt3A_156 = arith.cmpi sgt, %scan3A_130, %gt3A_155 : i32
      %convert_element_type3A_157 = arith.extui %gt3A_156 : i1 to i32
      %cond3A_158 = arith.constant 0 : i32
      %cond3A_159 = arith.cmpi ne, %convert_element_type3A_157, %cond3A_158 : i32
      scf.if %cond3A_159 {
        %dma_wait3A_245 = arith.constant 0 : i32
        %dma_wait3A_246 = arith.constant 0 : i32
        %dma_wait3A_247 = tpu.memref_slice %arg7[%dma_wait3A_245, %dma_wait3A_246] : memref<128x160xi32, #tpu.memory_space<vmem>> -> memref<1x160xi32, #tpu.memory_space<vmem>>
        %dma_wait3A_248 = tpu.memref_squeeze %dma_wait3A_247 : memref<1x160xi32, #tpu.memory_space<vmem>> -> memref<160xi32, #tpu.memory_space<vmem>>
        %dma_wait3A_249 = arith.constant 0 : i32
        %dma_wait3A_250 = arith.constant 0 : i32
        %dma_wait3A_251 = tpu.memref_slice %arg12[%dma_wait3A_249, %dma_wait3A_250] : memref<10240x64xf32, #tpu.memory_space<vmem_shared>> -> memref<10240x64xf32, #tpu.memory_space<vmem_shared>>
        tpu.wait_indirect_dma semaphore(%arg19 : memref<!tpu.dma_semaphore, #tpu.memory_space<semaphore_mem>>) src(%arg10 : memref<160x64xf32, #tpu.memory_space<vmem>>) dst(%dma_wait3A_251 : memref<10240x64xf32, #tpu.memory_space<vmem_shared>>)
      } else {
      }
      %add3A_160 = arith.constant 2 : i32
      %add3A_161 = arith.addi %mul3A_132, %add3A_160 : i32
      %dma_start3A_162 = arith.constant 0 : i32
      %dma_start3A_163 = tpu.memref_slice %arg6[%add3A_161, %dma_start3A_162] : memref<128x160xi32, #tpu.memory_space<vmem>> -> memref<1x160xi32, #tpu.memory_space<vmem>>
      %dma_start3A_164 = tpu.memref_squeeze %dma_start3A_163 : memref<1x160xi32, #tpu.memory_space<vmem>> -> memref<160xi32, #tpu.memory_space<vmem>>
      %dma_start3A_165 = arith.constant 0 : i32
      %dma_start3A_166 = arith.constant 0 : i32
      %dma_start3A_167 = tpu.memref_slice %arg2[%dma_start3A_165, %dma_start3A_166] : memref<40960x64xf32, #tpu.memory_space<hbm>> -> memref<40960x64xf32, #tpu.memory_space<hbm>>
      tpu.enqueue_indirect_dma source(%dma_start3A_167 : memref<40960x64xf32, #tpu.memory_space<hbm>>) target(%arg10 : memref<160x64xf32, #tpu.memory_space<vmem>>) offsets(%dma_start3A_164 : memref<160xi32, #tpu.memory_space<vmem>>) semaphore(%arg15 : memref<!tpu.dma_semaphore, #tpu.memory_space<semaphore_mem>>)
      %gt3A_168 = arith.constant 0 : i32
      %gt3A_169 = arith.cmpi sgt, %scan3A_130, %gt3A_168 : i32
      %convert_element_type3A_170 = arith.extui %gt3A_169 : i1 to i32
      %cond3A_171 = arith.constant 0 : i32
      %cond3A_172 = arith.cmpi ne, %convert_element_type3A_170, %cond3A_171 : i32
      scf.if %cond3A_172 {
        %dma_wait3A_245 = arith.constant 0 : i32
        %dma_wait3A_246 = arith.constant 0 : i32
        %dma_wait3A_247 = tpu.memref_slice %arg7[%dma_wait3A_245, %dma_wait3A_246] : memref<128x160xi32, #tpu.memory_space<vmem>> -> memref<1x160xi32, #tpu.memory_space<vmem>>
        %dma_wait3A_248 = tpu.memref_squeeze %dma_wait3A_247 : memref<1x160xi32, #tpu.memory_space<vmem>> -> memref<160xi32, #tpu.memory_space<vmem>>
        %dma_wait3A_249 = arith.constant 0 : i32
        %dma_wait3A_250 = arith.constant 0 : i32
        %dma_wait3A_251 = tpu.memref_slice %arg12[%dma_wait3A_249, %dma_wait3A_250] : memref<10240x64xf32, #tpu.memory_space<vmem_shared>> -> memref<10240x64xf32, #tpu.memory_space<vmem_shared>>
        tpu.wait_indirect_dma semaphore(%arg20 : memref<!tpu.dma_semaphore, #tpu.memory_space<semaphore_mem>>) src(%arg11 : memref<160x64xf32, #tpu.memory_space<vmem>>) dst(%dma_wait3A_251 : memref<10240x64xf32, #tpu.memory_space<vmem_shared>>)
      } else {
      }
      %add3A_173 = arith.constant 3 : i32
      %add3A_174 = arith.addi %mul3A_132, %add3A_173 : i32
      %dma_start3A_175 = arith.constant 0 : i32
      %dma_start3A_176 = tpu.memref_slice %arg6[%add3A_174, %dma_start3A_175] : memref<128x160xi32, #tpu.memory_space<vmem>> -> memref<1x160xi32, #tpu.memory_space<vmem>>
      %dma_start3A_177 = tpu.memref_squeeze %dma_start3A_176 : memref<1x160xi32, #tpu.memory_space<vmem>> -> memref<160xi32, #tpu.memory_space<vmem>>
      %dma_start3A_178 = arith.constant 0 : i32
      %dma_start3A_179 = arith.constant 0 : i32
      %dma_start3A_180 = tpu.memref_slice %arg2[%dma_start3A_178, %dma_start3A_179] : memref<40960x64xf32, #tpu.memory_space<hbm>> -> memref<40960x64xf32, #tpu.memory_space<hbm>>
      tpu.enqueue_indirect_dma source(%dma_start3A_180 : memref<40960x64xf32, #tpu.memory_space<hbm>>) target(%arg11 : memref<160x64xf32, #tpu.memory_space<vmem>>) offsets(%dma_start3A_177 : memref<160xi32, #tpu.memory_space<vmem>>) semaphore(%arg16 : memref<!tpu.dma_semaphore, #tpu.memory_space<semaphore_mem>>)
      %add3A_181 = arith.constant 0 : i32
      %add3A_182 = arith.addi %mul3A_132, %add3A_181 : i32
      %dma_wait3A_183 = arith.constant 0 : i32
      %dma_wait3A_184 = tpu.memref_slice %arg6[%add3A_182, %dma_wait3A_183] : memref<128x160xi32, #tpu.memory_space<vmem>> -> memref<1x160xi32, #tpu.memory_space<vmem>>
      %dma_wait3A_185 = tpu.memref_squeeze %dma_wait3A_184 : memref<1x160xi32, #tpu.memory_space<vmem>> -> memref<160xi32, #tpu.memory_space<vmem>>
      %dma_wait3A_186 = arith.constant 0 : i32
      %dma_wait3A_187 = arith.constant 0 : i32
      %dma_wait3A_188 = tpu.memref_slice %arg2[%dma_wait3A_186, %dma_wait3A_187] : memref<40960x64xf32, #tpu.memory_space<hbm>> -> memref<40960x64xf32, #tpu.memory_space<hbm>>
      tpu.wait_indirect_dma semaphore(%arg13 : memref<!tpu.dma_semaphore, #tpu.memory_space<semaphore_mem>>) src(%dma_wait3A_188 : memref<40960x64xf32, #tpu.memory_space<hbm>>) dst(%arg8 : memref<160x64xf32, #tpu.memory_space<vmem>>)
      %add3A_189 = arith.constant 0 : i32
      %add3A_190 = arith.addi %mul3A_132, %add3A_189 : i32
      %dma_start3A_191 = arith.constant 0 : i32
      %dma_start3A_192 = tpu.memref_slice %arg7[%add3A_190, %dma_start3A_191] : memref<128x160xi32, #tpu.memory_space<vmem>> -> memref<1x160xi32, #tpu.memory_space<vmem>>
      %dma_start3A_193 = tpu.memref_squeeze %dma_start3A_192 : memref<1x160xi32, #tpu.memory_space<vmem>> -> memref<160xi32, #tpu.memory_space<vmem>>
      %dma_start3A_194 = arith.constant 0 : i32
      %dma_start3A_195 = arith.constant 0 : i32
      %dma_start3A_196 = tpu.memref_slice %arg12[%dma_start3A_194, %dma_start3A_195] : memref<10240x64xf32, #tpu.memory_space<vmem_shared>> -> memref<10240x64xf32, #tpu.memory_space<vmem_shared>>
      tpu.enqueue_indirect_dma source(%arg8 : memref<160x64xf32, #tpu.memory_space<vmem>>) target(%dma_start3A_196 : memref<10240x64xf32, #tpu.memory_space<vmem_shared>>) offsets(%dma_start3A_193 : memref<160xi32, #tpu.memory_space<vmem>>) semaphore(%arg17 : memref<!tpu.dma_semaphore, #tpu.memory_space<semaphore_mem>>) {add = true}
      %add3A_197 = arith.constant 1 : i32
      %add3A_198 = arith.addi %mul3A_132, %add3A_197 : i32
      %dma_wait3A_199 = arith.constant 0 : i32
      %dma_wait3A_200 = tpu.memref_slice %arg6[%add3A_198, %dma_wait3A_199] : memref<128x160xi32, #tpu.memory_space<vmem>> -> memref<1x160xi32, #tpu.memory_space<vmem>>
      %dma_wait3A_201 = tpu.memref_squeeze %dma_wait3A_200 : memref<1x160xi32, #tpu.memory_space<vmem>> -> memref<160xi32, #tpu.memory_space<vmem>>
      %dma_wait3A_202 = arith.constant 0 : i32
      %dma_wait3A_203 = arith.constant 0 : i32
      %dma_wait3A_204 = tpu.memref_slice %arg2[%dma_wait3A_202, %dma_wait3A_203] : memref<40960x64xf32, #tpu.memory_space<hbm>> -> memref<40960x64xf32, #tpu.memory_space<hbm>>
      tpu.wait_indirect_dma semaphore(%arg14 : memref<!tpu.dma_semaphore, #tpu.memory_space<semaphore_mem>>) src(%dma_wait3A_204 : memref<40960x64xf32, #tpu.memory_space<hbm>>) dst(%arg9 : memref<160x64xf32, #tpu.memory_space<vmem>>)
      %add3A_205 = arith.constant 1 : i32
      %add3A_206 = arith.addi %mul3A_132, %add3A_205 : i32
      %dma_start3A_207 = arith.constant 0 : i32
      %dma_start3A_208 = tpu.memref_slice %arg7[%add3A_206, %dma_start3A_207] : memref<128x160xi32, #tpu.memory_space<vmem>> -> memref<1x160xi32, #tpu.memory_space<vmem>>
      %dma_start3A_209 = tpu.memref_squeeze %dma_start3A_208 : memref<1x160xi32, #tpu.memory_space<vmem>> -> memref<160xi32, #tpu.memory_space<vmem>>
      %dma_start3A_210 = arith.constant 0 : i32
      %dma_start3A_211 = arith.constant 0 : i32
      %dma_start3A_212 = tpu.memref_slice %arg12[%dma_start3A_210, %dma_start3A_211] : memref<10240x64xf32, #tpu.memory_space<vmem_shared>> -> memref<10240x64xf32, #tpu.memory_space<vmem_shared>>
      tpu.enqueue_indirect_dma source(%arg9 : memref<160x64xf32, #tpu.memory_space<vmem>>) target(%dma_start3A_212 : memref<10240x64xf32, #tpu.memory_space<vmem_shared>>) offsets(%dma_start3A_209 : memref<160xi32, #tpu.memory_space<vmem>>) semaphore(%arg18 : memref<!tpu.dma_semaphore, #tpu.memory_space<semaphore_mem>>) {add = true}
      %add3A_213 = arith.constant 2 : i32
      %add3A_214 = arith.addi %mul3A_132, %add3A_213 : i32
      %dma_wait3A_215 = arith.constant 0 : i32
      %dma_wait3A_216 = tpu.memref_slice %arg6[%add3A_214, %dma_wait3A_215] : memref<128x160xi32, #tpu.memory_space<vmem>> -> memref<1x160xi32, #tpu.memory_space<vmem>>
      %dma_wait3A_217 = tpu.memref_squeeze %dma_wait3A_216 : memref<1x160xi32, #tpu.memory_space<vmem>> -> memref<160xi32, #tpu.memory_space<vmem>>
      %dma_wait3A_218 = arith.constant 0 : i32
      %dma_wait3A_219 = arith.constant 0 : i32
      %dma_wait3A_220 = tpu.memref_slice %arg2[%dma_wait3A_218, %dma_wait3A_219] : memref<40960x64xf32, #tpu.memory_space<hbm>> -> memref<40960x64xf32, #tpu.memory_space<hbm>>
      tpu.wait_indirect_dma semaphore(%arg15 : memref<!tpu.dma_semaphore, #tpu.memory_space<semaphore_mem>>) src(%dma_wait3A_220 : memref<40960x64xf32, #tpu.memory_space<hbm>>) dst(%arg10 : memref<160x64xf32, #tpu.memory_space<vmem>>)
      %add3A_221 = arith.constant 2 : i32
      %add3A_222 = arith.addi %mul3A_132, %add3A_221 : i32
      %dma_start3A_223 = arith.constant 0 : i32
      %dma_start3A_224 = tpu.memref_slice %arg7[%add3A_222, %dma_start3A_223] : memref<128x160xi32, #tpu.memory_space<vmem>> -> memref<1x160xi32, #tpu.memory_space<vmem>>
      %dma_start3A_225 = tpu.memref_squeeze %dma_start3A_224 : memref<1x160xi32, #tpu.memory_space<vmem>> -> memref<160xi32, #tpu.memory_space<vmem>>
      %dma_start3A_226 = arith.constant 0 : i32
      %dma_start3A_227 = arith.constant 0 : i32
      %dma_start3A_228 = tpu.memref_slice %arg12[%dma_start3A_226, %dma_start3A_227] : memref<10240x64xf32, #tpu.memory_space<vmem_shared>> -> memref<10240x64xf32, #tpu.memory_space<vmem_shared>>
      tpu.enqueue_indirect_dma source(%arg10 : memref<160x64xf32, #tpu.memory_space<vmem>>) target(%dma_start3A_228 : memref<10240x64xf32, #tpu.memory_space<vmem_shared>>) offsets(%dma_start3A_225 : memref<160xi32, #tpu.memory_space<vmem>>) semaphore(%arg19 : memref<!tpu.dma_semaphore, #tpu.memory_space<semaphore_mem>>) {add = true}
      %add3A_229 = arith.constant 3 : i32
      %add3A_230 = arith.addi %mul3A_132, %add3A_229 : i32
      %dma_wait3A_231 = arith.constant 0 : i32
      %dma_wait3A_232 = tpu.memref_slice %arg6[%add3A_230, %dma_wait3A_231] : memref<128x160xi32, #tpu.memory_space<vmem>> -> memref<1x160xi32, #tpu.memory_space<vmem>>
      %dma_wait3A_233 = tpu.memref_squeeze %dma_wait3A_232 : memref<1x160xi32, #tpu.memory_space<vmem>> -> memref<160xi32, #tpu.memory_space<vmem>>
      %dma_wait3A_234 = arith.constant 0 : i32
      %dma_wait3A_235 = arith.constant 0 : i32
      %dma_wait3A_236 = tpu.memref_slice %arg2[%dma_wait3A_234, %dma_wait3A_235] : memref<40960x64xf32, #tpu.memory_space<hbm>> -> memref<40960x64xf32, #tpu.memory_space<hbm>>
      tpu.wait_indirect_dma semaphore(%arg16 : memref<!tpu.dma_semaphore, #tpu.memory_space<semaphore_mem>>) src(%dma_wait3A_236 : memref<40960x64xf32, #tpu.memory_space<hbm>>) dst(%arg11 : memref<160x64xf32, #tpu.memory_space<vmem>>)
      %add3A_237 = arith.constant 3 : i32
      %add3A_238 = arith.addi %mul3A_132, %add3A_237 : i32
      %dma_start3A_239 = arith.constant 0 : i32
      %dma_start3A_240 = tpu.memref_slice %arg7[%add3A_238, %dma_start3A_239] : memref<128x160xi32, #tpu.memory_space<vmem>> -> memref<1x160xi32, #tpu.memory_space<vmem>>
      %dma_start3A_241 = tpu.memref_squeeze %dma_start3A_240 : memref<1x160xi32, #tpu.memory_space<vmem>> -> memref<160xi32, #tpu.memory_space<vmem>>
      %dma_start3A_242 = arith.constant 0 : i32
      %dma_start3A_243 = arith.constant 0 : i32
      %dma_start3A_244 = tpu.memref_slice %arg12[%dma_start3A_242, %dma_start3A_243] : memref<10240x64xf32, #tpu.memory_space<vmem_shared>> -> memref<10240x64xf32, #tpu.memory_space<vmem_shared>>
      tpu.enqueue_indirect_dma source(%arg11 : memref<160x64xf32, #tpu.memory_space<vmem>>) target(%dma_start3A_244 : memref<10240x64xf32, #tpu.memory_space<vmem_shared>>) offsets(%dma_start3A_241 : memref<160xi32, #tpu.memory_space<vmem>>) semaphore(%arg20 : memref<!tpu.dma_semaphore, #tpu.memory_space<semaphore_mem>>) {add = true}
    }
    %scan3A_95 = arith.constant 32 : i32
    %dma_wait3A_96 = arith.constant 0 : i32
    %dma_wait3A_97 = arith.constant 0 : i32
    %dma_wait3A_98 = tpu.memref_slice %arg7[%dma_wait3A_96, %dma_wait3A_97] : memref<128x160xi32, #tpu.memory_space<vmem>> -> memref<1x160xi32, #tpu.memory_space<vmem>>
    %dma_wait3A_99 = tpu.memref_squeeze %dma_wait3A_98 : memref<1x160xi32, #tpu.memory_space<vmem>> -> memref<160xi32, #tpu.memory_space<vmem>>
    %dma_wait3A_100 = arith.constant 0 : i32
    %dma_wait3A_101 = arith.constant 0 : i32
    %dma_wait3A_102 = tpu.memref_slice %arg12[%dma_wait3A_100, %dma_wait3A_101] : memref<10240x64xf32, #tpu.memory_space<vmem_shared>> -> memref<10240x64xf32, #tpu.memory_space<vmem_shared>>
    tpu.wait_indirect_dma semaphore(%arg17 : memref<!tpu.dma_semaphore, #tpu.memory_space<semaphore_mem>>) src(%arg8 : memref<160x64xf32, #tpu.memory_space<vmem>>) dst(%dma_wait3A_102 : memref<10240x64xf32, #tpu.memory_space<vmem_shared>>)
    %dma_wait3A_103 = arith.constant 0 : i32
    %dma_wait3A_104 = arith.constant 0 : i32
    %dma_wait3A_105 = tpu.memref_slice %arg7[%dma_wait3A_103, %dma_wait3A_104] : memref<128x160xi32, #tpu.memory_space<vmem>> -> memref<1x160xi32, #tpu.memory_space<vmem>>
    %dma_wait3A_106 = tpu.memref_squeeze %dma_wait3A_105 : memref<1x160xi32, #tpu.memory_space<vmem>> -> memref<160xi32, #tpu.memory_space<vmem>>
    %dma_wait3A_107 = arith.constant 0 : i32
    %dma_wait3A_108 = arith.constant 0 : i32
    %dma_wait3A_109 = tpu.memref_slice %arg12[%dma_wait3A_107, %dma_wait3A_108] : memref<10240x64xf32, #tpu.memory_space<vmem_shared>> -> memref<10240x64xf32, #tpu.memory_space<vmem_shared>>
    tpu.wait_indirect_dma semaphore(%arg18 : memref<!tpu.dma_semaphore, #tpu.memory_space<semaphore_mem>>) src(%arg9 : memref<160x64xf32, #tpu.memory_space<vmem>>) dst(%dma_wait3A_109 : memref<10240x64xf32, #tpu.memory_space<vmem_shared>>)
    %dma_wait3A_110 = arith.constant 0 : i32
    %dma_wait3A_111 = arith.constant 0 : i32
    %dma_wait3A_112 = tpu.memref_slice %arg7[%dma_wait3A_110, %dma_wait3A_111] : memref<128x160xi32, #tpu.memory_space<vmem>> -> memref<1x160xi32, #tpu.memory_space<vmem>>
    %dma_wait3A_113 = tpu.memref_squeeze %dma_wait3A_112 : memref<1x160xi32, #tpu.memory_space<vmem>> -> memref<160xi32, #tpu.memory_space<vmem>>
    %dma_wait3A_114 = arith.constant 0 : i32
    %dma_wait3A_115 = arith.constant 0 : i32
    %dma_wait3A_116 = tpu.memref_slice %arg12[%dma_wait3A_114, %dma_wait3A_115] : memref<10240x64xf32, #tpu.memory_space<vmem_shared>> -> memref<10240x64xf32, #tpu.memory_space<vmem_shared>>
    tpu.wait_indirect_dma semaphore(%arg19 : memref<!tpu.dma_semaphore, #tpu.memory_space<semaphore_mem>>) src(%arg10 : memref<160x64xf32, #tpu.memory_space<vmem>>) dst(%dma_wait3A_116 : memref<10240x64xf32, #tpu.memory_space<vmem_shared>>)
    %dma_wait3A_117 = arith.constant 0 : i32
    %dma_wait3A_118 = arith.constant 0 : i32
    %dma_wait3A_119 = tpu.memref_slice %arg7[%dma_wait3A_117, %dma_wait3A_118] : memref<128x160xi32, #tpu.memory_space<vmem>> -> memref<1x160xi32, #tpu.memory_space<vmem>>
    %dma_wait3A_120 = tpu.memref_squeeze %dma_wait3A_119 : memref<1x160xi32, #tpu.memory_space<vmem>> -> memref<160xi32, #tpu.memory_space<vmem>>
    %dma_wait3A_121 = arith.constant 0 : i32
    %dma_wait3A_122 = arith.constant 0 : i32
    %dma_wait3A_123 = tpu.memref_slice %arg12[%dma_wait3A_121, %dma_wait3A_122] : memref<10240x64xf32, #tpu.memory_space<vmem_shared>> -> memref<10240x64xf32, #tpu.memory_space<vmem_shared>>
    tpu.wait_indirect_dma semaphore(%arg20 : memref<!tpu.dma_semaphore, #tpu.memory_space<semaphore_mem>>) src(%arg11 : memref<160x64xf32, #tpu.memory_space<vmem>>) dst(%dma_wait3A_123 : memref<10240x64xf32, #tpu.memory_space<vmem_shared>>)
    %barrier3A_124 = arith.constant 0 : index
    tpu.barrier barrier_id(%barrier3A_124)
    %mul3A_125 = arith.constant 640 : i32
    %mul3A_126 = arith.muli %arg1, %mul3A_125 : i32
    %mul3A_127 = arith.constant 640 : i32
    %mul3A_128 = arith.muli %arg1, %mul3A_127 : i32
    %run_scoped3A_129 = arith.constant 1 : i32
    "tpu.region"() ({
      %run_scoped3A_130 = tpu.sem_alloc : memref<!tpu.dma_semaphore, #tpu.memory_space<semaphore_mem>>
      %dma_start3A = arith.constant 0 : i32
      %dma_start3A_131 = tpu.memref_slice %arg5[%arg0, %run_scoped3A_129, %mul3A_128, %dma_start3A] : memref<2x2x10240x64xf32, #tpu.memory_space<hbm>> -> memref<1x1x640x64xf32, #tpu.memory_space<hbm>>
      %dma_start3A_132 = tpu.memref_squeeze %dma_start3A_131 : memref<1x1x640x64xf32, #tpu.memory_space<hbm>> -> memref<640x64xf32, #tpu.memory_space<hbm>>
      %dma_start3A_133 = arith.constant 0 : i32
      %dma_start3A_134 = tpu.memref_slice %arg12[%mul3A_126, %dma_start3A_133] : memref<10240x64xf32, #tpu.memory_space<vmem_shared>> -> memref<640x64xf32, #tpu.memory_space<vmem_shared>>
      tpu.enqueue_dma source(%dma_start3A_134 : memref<640x64xf32, #tpu.memory_space<vmem_shared>>) target(%dma_start3A_132 : memref<640x64xf32, #tpu.memory_space<hbm>>) target_semaphore(%run_scoped3A_130 : memref<!tpu.dma_semaphore, #tpu.memory_space<semaphore_mem>>)
      %dma_wait3A_135 = arith.constant 0 : i32
      %dma_wait3A_136 = tpu.memref_slice %arg5[%arg0, %run_scoped3A_129, %mul3A_128, %dma_wait3A_135] : memref<2x2x10240x64xf32, #tpu.memory_space<hbm>> -> memref<1x1x640x64xf32, #tpu.memory_space<hbm>>
      %dma_wait3A_137 = tpu.memref_squeeze %dma_wait3A_136 : memref<1x1x640x64xf32, #tpu.memory_space<hbm>> -> memref<640x64xf32, #tpu.memory_space<hbm>>
      %dma_wait3A_138 = arith.constant 0 : i32
      %dma_wait3A_139 = tpu.memref_slice %arg12[%mul3A_126, %dma_wait3A_138] : memref<10240x64xf32, #tpu.memory_space<vmem_shared>> -> memref<640x64xf32, #tpu.memory_space<vmem_shared>>
      tpu.wait_dma2 semaphore(%run_scoped3A_130 : memref<!tpu.dma_semaphore, #tpu.memory_space<semaphore_mem>>) src(%dma_wait3A_139 : memref<640x64xf32, #tpu.memory_space<vmem_shared>>) dst(%dma_wait3A_137 : memref<640x64xf32, #tpu.memory_space<hbm>>)
      tpu.yield
    }) : () -> ()
    return
  }
}

module attributes {stable_mosaic.version = 14 : i64} {
  func.func @_scale_body(%arg0: i32, %arg1: memref<2x1024x16xf32, #tpu.memory_space<vmem>>, %arg2: memref<1024x128xf32, #tpu.memory_space<vmem>>, %arg3: memref<2x1024xf32, #tpu.memory_space<vmem>>, %arg4: memref<2x1024x128xf32, #tpu.memory_space<vmem>>) attributes {dimension_semantics = [#tpu.dimension_semantics<arbitrary>], iteration_bounds = array<i64: 10>, scalar_prefetch = 0 : i64, scratch_operands = 0 : i64, tpu.core_type = #tpu.core_type<tc>, window_params = [{transform_indices = @transform_0, window_bounds = array<i64: 2, 1024, 16>}, {transform_indices = @transform_1, window_bounds = array<i64: 1024, 128>}, {transform_indices = @transform_2, window_bounds = array<i64: 2, 1024>}, {transform_indices = @transform_3, window_bounds = array<i64: 2, 1024, 128>}]} {
    %get3A = arith.constant 0 : index
    %get3A_0 = arith.constant 0 : index
    %get3A_1 = arith.constant 0 : index
    %get3A_2 = vector.load %arg1[%get3A, %get3A_0, %get3A_1] : memref<2x1024x16xf32, #tpu.memory_space<vmem>>, vector<2x1024x16xf32>
    %get3A_3 = arith.constant 0 : index
    %get3A_4 = arith.constant 0 : index
    %get3A_5 = vector.load %arg2[%get3A_3, %get3A_4] : memref<1024x128xf32, #tpu.memory_space<vmem>>, vector<1024x128xf32>
    %reduce_sum3A = arith.constant dense<0.000000e+00> : vector<2x1024xf32>
    %reduce_sum3A_6 = vector.multi_reduction <add>, %get3A_2, %reduce_sum3A [2] : vector<2x1024x16xf32> to vector<2x1024xf32>
    %mul3A = arith.constant 6.250000e-02 : f32
    %mul3A_7 = vector.broadcast %mul3A : f32 to vector<2x1024xf32>
    %mul3A_8 = arith.mulf %reduce_sum3A_6, %mul3A_7 : vector<2x1024xf32>
    %gt3A = arith.constant 0.000000e+00 : f32
    %gt3A_9 = vector.broadcast %gt3A : f32 to vector<2x1024xf32>
    %gt3A_10 = arith.cmpf ogt, %mul3A_8, %gt3A_9 : vector<2x1024xf32>
    %max3A = arith.constant 1.000000e+00 : f32
    %max3A_11 = vector.broadcast %max3A : f32 to vector<2x1024xf32>
    %max3A_12 = arith.maximumf %mul3A_8, %max3A_11 : vector<2x1024xf32>
    %rsqrt3A = math.rsqrt %max3A_12 : vector<2x1024xf32>
    %jit3A = arith.constant 0.000000e+00 : f32
    %broadcast_in_dim3A = vector.broadcast %jit3A : f32 to vector<2x1024xf32>
    %select_n3A = arith.select %gt3A_10, %rsqrt3A, %broadcast_in_dim3A : vector<2x1024xi1>, vector<2x1024xf32>
    %swap3A = arith.constant 0 : index
    %swap3A_13 = arith.constant 0 : index
    %swap3A_14 = vector.load %arg3[%swap3A, %swap3A_13] : memref<2x1024xf32, #tpu.memory_space<vmem>>, vector<2x1024xf32>
    tpu.vector_store %arg3[%swap3A, %swap3A_13], %select_n3A {strides = array<i32>} : memref<2x1024xf32, #tpu.memory_space<vmem>>, vector<2x1024xf32>,
    %slice3A = vector.extract_strided_slice %select_n3A {offsets = [1, 0], sizes = [1, 1024], strides = [1, 1]} : vector<2x1024xf32> to vector<1x1024xf32>
    %squeeze3A = vector.shape_cast %slice3A : vector<1x1024xf32> to vector<1024xf32>
    %broadcast_in_dim3A_15 = vector.shape_cast %squeeze3A : vector<1024xf32> to vector<1024x1xf32>
    %mul3A_16 = vector.broadcast %broadcast_in_dim3A_15 : vector<1024x1xf32> to vector<1024x128xf32>
    %mul3A_17 = arith.mulf %mul3A_16, %get3A_5 : vector<1024x128xf32>
    %swap3A_18 = arith.constant 0 : index
    %swap3A_19 = arith.constant 0 : index
    %swap3A_20 = arith.constant 0 : index
    %swap3A_21 = vector.load %arg4[%swap3A_18, %swap3A_19, %swap3A_20] : memref<2x1024x128xf32, #tpu.memory_space<vmem>>, vector<1x1024x128xf32>
    %swap3A_22 = vector.shape_cast %swap3A_21 : vector<1x1024x128xf32> to vector<1024x128xf32>
    %swap3A_23 = vector.shape_cast %mul3A_17 : vector<1024x128xf32> to vector<1x1024x128xf32>
    tpu.vector_store %arg4[%swap3A_18, %swap3A_19, %swap3A_20], %swap3A_23 {strides = array<i32>} : memref<2x1024x128xf32, #tpu.memory_space<vmem>>, vector<1x1024x128xf32>,
    %slice3A_24 = vector.extract_strided_slice %select_n3A {offsets = [0, 0], sizes = [1, 1024], strides = [1, 1]} : vector<2x1024xf32> to vector<1x1024xf32>
    %squeeze3A_25 = vector.shape_cast %slice3A_24 : vector<1x1024xf32> to vector<1024xf32>
    %broadcast_in_dim3A_26 = vector.shape_cast %squeeze3A_25 : vector<1024xf32> to vector<1024x1xf32>
    %mul3A_27 = vector.broadcast %broadcast_in_dim3A_26 : vector<1024x1xf32> to vector<1024x128xf32>
    %mul3A_28 = arith.mulf %mul3A_27, %get3A_5 : vector<1024x128xf32>
    %swap3A_29 = arith.constant 1 : index
    %swap3A_30 = arith.constant 0 : index
    %swap3A_31 = arith.constant 0 : index
    %swap3A_32 = vector.load %arg4[%swap3A_29, %swap3A_30, %swap3A_31] : memref<2x1024x128xf32, #tpu.memory_space<vmem>>, vector<1x1024x128xf32>
    %swap3A_33 = vector.shape_cast %swap3A_32 : vector<1x1024x128xf32> to vector<1024x128xf32>
    %swap3A_34 = vector.shape_cast %mul3A_28 : vector<1024x128xf32> to vector<1x1024x128xf32>
    tpu.vector_store %arg4[%swap3A_29, %swap3A_30, %swap3A_31], %swap3A_34 {strides = array<i32>} : memref<2x1024x128xf32, #tpu.memory_space<vmem>>, vector<1x1024x128xf32>,
    return
  }
  func.func @transform_0(%arg0: i32) -> (i32, i32, i32) {
    %c0_i32 = arith.constant 0 : i32
    %c0_i32_0 = arith.constant 0 : i32
    %c0_i32_1 = arith.constant 0 : i32
    return %c0_i32, %arg0, %c0_i32_0 : i32, i32, i32
  }
  func.func @transform_1(%arg0: i32) -> (i32, i32) {
    %c0_i32 = arith.constant 0 : i32
    %c0_i32_0 = arith.constant 0 : i32
    return %arg0, %c0_i32 : i32, i32
  }
  func.func @transform_2(%arg0: i32) -> (i32, i32) {
    %c0_i32 = arith.constant 0 : i32
    %c0_i32_0 = arith.constant 0 : i32
    return %c0_i32, %arg0 : i32, i32
  }
  func.func @transform_3(%arg0: i32) -> (i32, i32, i32) {
    %c0_i32 = arith.constant 0 : i32
    %c0_i32_0 = arith.constant 0 : i32
    %c0_i32_1 = arith.constant 0 : i32
    return %c0_i32, %arg0, %c0_i32_0 : i32, i32, i32
  }
}

module attributes {stable_mosaic.version = 14 : i64} {
  func.func @_out_body(%arg0: i32, %arg1: memref<2x2x1024x64xf32, #tpu.memory_space<vmem>>, %arg2: memref<2x1024xf32, #tpu.memory_space<vmem>>, %arg3: memref<128x128xf32, #tpu.memory_space<vmem>>, %arg4: memref<128x128xf32, #tpu.memory_space<vmem>>, %arg5: memref<1x128xf32, #tpu.memory_space<vmem>>, %arg6: memref<1x128xf32, #tpu.memory_space<vmem>>, %arg7: memref<1024x128xf32, #tpu.memory_space<vmem>>) attributes {dimension_semantics = [#tpu.dimension_semantics<arbitrary>], iteration_bounds = array<i64: 10>, scalar_prefetch = 0 : i64, scratch_operands = 0 : i64, tpu.core_type = #tpu.core_type<tc>, window_params = [{transform_indices = @transform_0, window_bounds = array<i64: 2, 2, 1024, 64>}, {transform_indices = @transform_1, window_bounds = array<i64: 2, 1024>}, {pipeline_mode = #tpu.pipeline_mode<synchronous>, transform_indices = @transform_2, window_bounds = array<i64: 128, 128>}, {pipeline_mode = #tpu.pipeline_mode<synchronous>, transform_indices = @transform_3, window_bounds = array<i64: 128, 128>}, {pipeline_mode = #tpu.pipeline_mode<synchronous>, transform_indices = @transform_4, window_bounds = array<i64: 1, 128>}, {pipeline_mode = #tpu.pipeline_mode<synchronous>, transform_indices = @transform_5, window_bounds = array<i64: 1, 128>}, {transform_indices = @transform_6, window_bounds = array<i64: 1024, 128>}]} {
    %get3A = arith.constant 0 : index
    %get3A_0 = arith.constant 0 : index
    %get3A_1 = arith.constant 0 : index
    %get3A_2 = arith.constant 0 : index
    %get3A_3 = vector.load %arg1[%get3A, %get3A_0, %get3A_1, %get3A_2] : memref<2x2x1024x64xf32, #tpu.memory_space<vmem>>, vector<1x1x1024x64xf32>
    %get3A_4 = vector.shape_cast %get3A_3 : vector<1x1x1024x64xf32> to vector<1024x64xf32>
    %get3A_5 = arith.constant 0 : index
    %get3A_6 = arith.constant 1 : index
    %get3A_7 = arith.constant 0 : index
    %get3A_8 = arith.constant 0 : index
    %get3A_9 = vector.load %arg1[%get3A_5, %get3A_6, %get3A_7, %get3A_8] : memref<2x2x1024x64xf32, #tpu.memory_space<vmem>>, vector<1x1x1024x64xf32>
    %get3A_10 = vector.shape_cast %get3A_9 : vector<1x1x1024x64xf32> to vector<1024x64xf32>
    %concatenate3A = tpu.concatenate %get3A_4, %get3A_10 in 1 : vector<1024x64xf32>, vector<1024x64xf32> -> vector<1024x128xf32>
    %get3A_11 = arith.constant 1 : index
    %get3A_12 = arith.constant 0 : index
    %get3A_13 = arith.constant 0 : index
    %get3A_14 = arith.constant 0 : index
    %get3A_15 = vector.load %arg1[%get3A_11, %get3A_12, %get3A_13, %get3A_14] : memref<2x2x1024x64xf32, #tpu.memory_space<vmem>>, vector<1x1x1024x64xf32>
    %get3A_16 = vector.shape_cast %get3A_15 : vector<1x1x1024x64xf32> to vector<1024x64xf32>
    %get3A_17 = arith.constant 1 : index
    %get3A_18 = arith.constant 1 : index
    %get3A_19 = arith.constant 0 : index
    %get3A_20 = arith.constant 0 : index
    %get3A_21 = vector.load %arg1[%get3A_17, %get3A_18, %get3A_19, %get3A_20] : memref<2x2x1024x64xf32, #tpu.memory_space<vmem>>, vector<1x1x1024x64xf32>
    %get3A_22 = vector.shape_cast %get3A_21 : vector<1x1x1024x64xf32> to vector<1024x64xf32>
    %concatenate3A_23 = tpu.concatenate %get3A_16, %get3A_22 in 1 : vector<1024x64xf32>, vector<1024x64xf32> -> vector<1024x128xf32>
    %get3A_24 = arith.constant 0 : index
    %get3A_25 = arith.constant 0 : index
    %get3A_26 = vector.load %arg2[%get3A_24, %get3A_25] : memref<2x1024xf32, #tpu.memory_space<vmem>>, vector<2x1024xf32>
    %get3A_27 = arith.constant 0 : index
    %get3A_28 = arith.constant 0 : index
    %get3A_29 = vector.load %arg3[%get3A_27, %get3A_28] : memref<128x128xf32, #tpu.memory_space<vmem>>, vector<128x128xf32>
    %dot_general3A = arith.constant dense<0.000000e+00> : vector<1024x128xf32>
    %dot_general3A_30 = tpu.matmul %concatenate3A, %get3A_29, %dot_general3A {dimension_numbers = #tpu.dot_dimension_numbers<[1], [1], [0], [0], [0, 0, 1, 0], [], []>, transpose_lhs_hint = false} : vector<1024x128xf32>, vector<128x128xf32>, vector<1024x128xf32> -> vector<1024x128xf32>
    %get3A_31 = arith.constant 0 : index
    %get3A_32 = arith.constant 0 : index
    %get3A_33 = vector.load %arg4[%get3A_31, %get3A_32] : memref<128x128xf32, #tpu.memory_space<vmem>>, vector<128x128xf32>
    %dot_general3A_34 = arith.constant dense<0.000000e+00> : vector<1024x128xf32>
    %dot_general3A_35 = tpu.matmul %concatenate3A_23, %get3A_33, %dot_general3A_34 {dimension_numbers = #tpu.dot_dimension_numbers<[1], [1], [0], [0], [0, 0, 1, 0], [], []>, transpose_lhs_hint = false} : vector<1024x128xf32>, vector<128x128xf32>, vector<1024x128xf32> -> vector<1024x128xf32>
    %slice3A = vector.extract_strided_slice %get3A_26 {offsets = [0, 0], sizes = [1, 1024], strides = [1, 1]} : vector<2x1024xf32> to vector<1x1024xf32>
    %squeeze3A = vector.shape_cast %slice3A : vector<1x1024xf32> to vector<1024xf32>
    %broadcast_in_dim3A = vector.shape_cast %squeeze3A : vector<1024xf32> to vector<1024x1xf32>
    %mul3A = arith.constant 5.000000e-01 : f32
    %mul3A_36 = vector.broadcast %mul3A : f32 to vector<1024x1xf32>
    %mul3A_37 = arith.mulf %mul3A_36, %broadcast_in_dim3A : vector<1024x1xf32>
    %mul3A_38 = vector.broadcast %mul3A_37 : vector<1024x1xf32> to vector<1024x128xf32>
    %mul3A_39 = arith.mulf %mul3A_38, %dot_general3A_30 : vector<1024x128xf32>
    %slice3A_40 = vector.extract_strided_slice %get3A_26 {offsets = [1, 0], sizes = [1, 1024], strides = [1, 1]} : vector<2x1024xf32> to vector<1x1024xf32>
    %squeeze3A_41 = vector.shape_cast %slice3A_40 : vector<1x1024xf32> to vector<1024xf32>
    %broadcast_in_dim3A_42 = vector.shape_cast %squeeze3A_41 : vector<1024xf32> to vector<1024x1xf32>
    %mul3A_43 = arith.constant 5.000000e-01 : f32
    %mul3A_44 = vector.broadcast %mul3A_43 : f32 to vector<1024x1xf32>
    %mul3A_45 = arith.mulf %mul3A_44, %broadcast_in_dim3A_42 : vector<1024x1xf32>
    %mul3A_46 = vector.broadcast %mul3A_45 : vector<1024x1xf32> to vector<1024x128xf32>
    %mul3A_47 = arith.mulf %mul3A_46, %dot_general3A_35 : vector<1024x128xf32>
    %add3A = arith.addf %mul3A_39, %mul3A_47 : vector<1024x128xf32>
    %get3A_48 = arith.constant 0 : index
    %get3A_49 = arith.constant 0 : index
    %get3A_50 = vector.load %arg5[%get3A_48, %get3A_49] : memref<1x128xf32, #tpu.memory_space<vmem>>, vector<1x128xf32>
    %mul3A_51 = arith.constant 5.000000e-01 : f32
    %mul3A_52 = vector.broadcast %mul3A_51 : f32 to vector<1x128xf32>
    %mul3A_53 = arith.mulf %mul3A_52, %get3A_50 : vector<1x128xf32>
    %add3A_54 = vector.broadcast %mul3A_53 : vector<1x128xf32> to vector<1024x128xf32>
    %add3A_55 = arith.addf %add3A, %add3A_54 : vector<1024x128xf32>
    %get3A_56 = arith.constant 0 : index
    %get3A_57 = arith.constant 0 : index
    %get3A_58 = vector.load %arg6[%get3A_56, %get3A_57] : memref<1x128xf32, #tpu.memory_space<vmem>>, vector<1x128xf32>
    %mul3A_59 = arith.constant 5.000000e-01 : f32
    %mul3A_60 = vector.broadcast %mul3A_59 : f32 to vector<1x128xf32>
    %mul3A_61 = arith.mulf %mul3A_60, %get3A_58 : vector<1x128xf32>
    %add3A_62 = vector.broadcast %mul3A_61 : vector<1x128xf32> to vector<1024x128xf32>
    %add3A_63 = arith.addf %add3A_55, %add3A_62 : vector<1024x128xf32>
    %swap3A = arith.constant 0 : index
    %swap3A_64 = arith.constant 0 : index
    %swap3A_65 = vector.load %arg7[%swap3A, %swap3A_64] : memref<1024x128xf32, #tpu.memory_space<vmem>>, vector<1024x128xf32>
    tpu.vector_store %arg7[%swap3A, %swap3A_64], %add3A_63 {strides = array<i32>} : memref<1024x128xf32, #tpu.memory_space<vmem>>, vector<1024x128xf32>,
    return
  }
  func.func @transform_0(%arg0: i32) -> (i32, i32, i32, i32) {
    %c0_i32 = arith.constant 0 : i32
    %c0_i32_0 = arith.constant 0 : i32
    %c0_i32_1 = arith.constant 0 : i32
    %c0_i32_2 = arith.constant 0 : i32
    return %c0_i32, %c0_i32_0, %arg0, %c0_i32_1 : i32, i32, i32, i32
  }
  func.func @transform_1(%arg0: i32) -> (i32, i32) {
    %c0_i32 = arith.constant 0 : i32
    %c0_i32_0 = arith.constant 0 : i32
    return %c0_i32, %arg0 : i32, i32
  }
  func.func @transform_2(%arg0: i32) -> (i32, i32) {
    %c0_i32 = arith.constant 0 : i32
    %c0_i32_0 = arith.constant 0 : i32
    %c0_i32_1 = arith.constant 0 : i32
    return %c0_i32, %c0_i32_0 : i32, i32
  }
  func.func @transform_3(%arg0: i32) -> (i32, i32) {
    %c0_i32 = arith.constant 0 : i32
    %c0_i32_0 = arith.constant 0 : i32
    %c0_i32_1 = arith.constant 0 : i32
    return %c0_i32, %c0_i32_0 : i32, i32
  }
  func.func @transform_4(%arg0: i32) -> (i32, i32) {
    %c0_i32 = arith.constant 0 : i32
    %c0_i32_0 = arith.constant 0 : i32
    %c0_i32_1 = arith.constant 0 : i32
    return %c0_i32, %c0_i32_0 : i32, i32
  }
  func.func @transform_5(%arg0: i32) -> (i32, i32) {
    %c0_i32 = arith.constant 0 : i32
    %c0_i32_0 = arith.constant 0 : i32
    %c0_i32_1 = arith.constant 0 : i32
    return %c0_i32, %c0_i32_0 : i32, i32
  }
  func.func @transform_6(%arg0: i32) -> (i32, i32) {
    %c0_i32 = arith.constant 0 : i32
    %c0_i32_0 = arith.constant 0 : i32
    return %arg0, %c0_i32 : i32, i32
  }
}

</mosaic_0001>

<sc_bundles>
// kernel: kernel.6.cloned.1.call-start
scs
__scs_entry_jumppad:
0x0: {  	(pc) =	sbr.rel $0x88, $3  }
0x1: {  	(tag) =	ssettag $0x0;
	lr =	simm.s32 $0x1  }
0x2: {  	[smem:$0x3F9B] =	sst lr;
	_ =	strace $0xD0000000  }
0x3: {  	_ = 	snop  }
0x4: {  	_ = 	snop  }
0x5: {  	_ = 	snop  }
0x6: {  	_ = 	snop  }
0x7: {  	_ = 	snop  }
__scs_overlays_trampoline_lowered:
0x8: {  	[smem:$0x3FAA] =	sst s0  }
0x9: {  	[smem:$0x3FAB] =	sst s1  }
0xa: {  	[smem:$0x3FAC] =	sst s2  }
0xb: {  	[smem:$0x3FAD] =	sst s3  }
0xc: {  	[smem:$0x3FAE] =	sst s4  }
0xd: {  	[smem:$0x3FAF] =	sst s5  }
0xe: {  	[smem:$0x3FB0] =	sst s6  }
0xf: {  	[smem:$0x3FB1] =	sst s7  }
0x10: {  	[smem:$0x3FB2] =	sst s8  }
0x11: {  	[smem:$0x3FB3] =	sst s9;
	s0 =	simm.s32 @!p0 $0x0  }
0x12: {  	s1 =	sld [smem:$0x3F99];
	s0 =	simm.s32 @p0 $0x1  }
0x13: {  	[smem:$0x3FB4] =	sst s0;
	s0 =	simm.s32 @!p1 $0x0  }
0x14: {  	s2 =	sld [smem:$0x3F98];
	s0 =	simm.s32 @p1 $0x1  }
0x15: {  	[smem:$0x3FB5] =	sst s0;
	s0 =	simm.s32 @!p2 $0x0  }
0x16: {  	s3 =	sld [smem:$0x3FDB];
	s0 =	simm.s32 @p2 $0x1  }
0x17: {  	s4 =	simm.s32 $0x1BF5;
	[smem:$0x3FB7] =	sst s0  }
0x18: {  	s0 =	sld [smem:$0x3F9A];
	_ =	swait.ge [sflag:s4], $0x0  }
0x19: {  	s7 =	sld [smem:$0x3F9B]  }
0x1a: {  	s8 =	sadd.s32 $0xFFFFE003, lr  }
0x1b: {  	s9 =	sadd.s32 $0xFFFFFEF7, lr;
	s5 =	simm.s32 $0xFFFFFFFF;
	p2 =	slt.u32 s8, $0xFFFFF086  }
0x1c: {  	p1 =	slt.u32 s9, $0xF7A;
	s5 =	simm.s32 @!p2 $0x0  }
0x1d: {  	s5 =	simm.s32 @p1 $0x1;
	p0 =	seq.s32 s7, s2  }
0x1e: {  	s7 =	smul.u32 @!p0 $0xF7A, s2;
	p2 =	seq.s32 @!p0 s5, $0x0  }
0x1f: {  	s9 =	smul.u32 $0xF7A, s1;
	s8 =	simm.s32 @!p0 $0x1BF5;
	p2 =	por !p2, p0  }
0x20: {  	[sflag:s8] =	ssyncset.s32 @!p0 $0xFFFFF086;
	s6 =	sadd.s32 @!p0 s3, s7;
	s7 =	simm.s32 @!p0 $0x108  }
0x21: {  	s3 =	sadd.s32 s3, s9;
	s6 =	sadd.s32 @!p0 $0x88, s6;
	s7 =	simm.s32 @p2 $0x1082  }
0x22: {  	[simem:s7], [sflag:s8] =	dma.local @!p0 [hbm:s6], $0xF7A  }
0x23: {  	s9 =	sor.u32 $0xD0000000, s2;
	s6 =	simm.s32 $0x108;
	_ =	swait.ge @!p0 [sflag:s8], $0x0  }
0x24: {  	s3 =	sadd.s32 $0x88, s3;
	s6 =	simm.s32 @!p1 $0x1082;
	[sflag:s4] =	ssyncset.s32 $0xFFFFF086  }
0x25: {  	[simem:s6], [sflag:s4] =	dma.local [hbm:s3], $0xF7A  }
0x26: {  	[smem:$0x3F9B] =	sst s1;
	(tag) =	ssettag s2;
	_ =	strace s9  }
0x27: {  	s1 =	sld [smem:$0x3FAB]  }
0x28: {  	s2 =	sld [smem:$0x3FAC]  }
0x29: {  	s4 =	sld [smem:$0x3FAE]  }
0x2a: {  	p0 =	seq.s32 s5, $0x0;
	s5 =	sld [smem:$0x3FAF]  }
0x2b: {  	s6 =	sld [smem:$0x3FB0]  }
0x2c: {  	s7 =	sld [smem:$0x3FB1]  }
0x2d: {  	s3 =	simm.s32 $0x108;
	s8 =	sld [smem:$0x3FB2]  }
0x2e: {  	s3 =	simm.s32 @!p0 $0x1082;
	s9 =	sld [smem:$0x3FB3]  }
0x2f: {  	lr =	sadd.s32 s0, s3;
	s0 =	sld [smem:$0x3FAA]  }
0x30: {  	s3 =	sld [smem:$0x3FAD]  }
0x31: {  	[smem:$0x3FB6] =	sst s10  }
0x32: {  	s10 =	sld [smem:$0x3FB4];
	_ =	sdelay $0x3  }
0x33: {  	p0 =	seq.s32 s10, $0x1;
	s10 =	sld [smem:$0x3FB6];
	_ =	sdelay $0x3  }
0x34: {  	[smem:$0x3FB6] =	sst s10  }
0x35: {  	s10 =	sld [smem:$0x3FB5];
	_ =	sdelay $0x3  }
0x36: {  	p1 =	seq.s32 s10, $0x1;
	s10 =	sld [smem:$0x3FB6];
	_ =	sdelay $0x3  }
0x37: {  	[smem:$0x3FB6] =	sst s10  }
0x38: {  	s10 =	sld [smem:$0x3FB7]  }
0x39: {  	_ = 	snop;
	(pc) =	sbr.ind lr, $3  }
0x3a: {  	_ = 	snop  }
0x3b: {  	_ = 	snop  }
0x3c: {  	p2 =	seq.s32 s10, $0x1;
	s10 =	sld [smem:$0x3FB6]  }
0x3d: {  	_ =	shalt  }
0x3e: {  	_ =	shalt  }
0x3f: {  	_ =	shalt  }
0x40: {  	_ =	shalt  }
0x41: {  	_ =	shalt  }
0x42: {  	_ =	shalt  }
0x43: {  	_ =	shalt  }
0x44: {  	_ =	shalt  }
0x45: {  	_ =	shalt  }
0x46: {  	_ =	shalt  }
0x47: {  	_ =	shalt  }
0x48: {  	_ =	shalt  }
0x49: {  	_ =	shalt  }
0x4a: {  	_ =	shalt  }
0x4b: {  	_ =	shalt  }
0x4c: {  	_ =	shalt  }
0x4d: {  	_ =	shalt  }
0x4e: {  	_ =	shalt  }
0x4f: {  	_ =	shalt  }
0x50: {  	_ =	shalt  }
0x51: {  	_ =	shalt  }
0x52: {  	_ =	shalt  }
0x53: {  	_ =	shalt  }
0x54: {  	_ =	shalt  }
0x55: {  	_ =	shalt  }
0x56: {  	_ =	shalt  }
0x57: {  	_ =	shalt  }
0x58: {  	_ =	shalt  }
0x59: {  	_ =	shalt  }
0x5a: {  	_ =	shalt  }
0x5b: {  	_ =	shalt  }
0x5c: {  	_ =	shalt  }
0x5d: {  	_ =	shalt  }
0x5e: {  	_ =	shalt  }
0x5f: {  	_ =	shalt  }
0x60: {  	_ =	shalt  }
0x61: {  	_ =	shalt  }
0x62: {  	_ =	shalt  }
0x63: {  	_ =	shalt  }
0x64: {  	_ =	shalt  }
0x65: {  	_ =	shalt  }
0x66: {  	_ =	shalt  }
0x67: {  	_ =	shalt  }
0x68: {  	_ =	shalt  }
0x69: {  	_ =	shalt  }
0x6a: {  	_ =	shalt  }
0x6b: {  	_ =	shalt  }
0x6c: {  	_ =	shalt  }
0x6d: {  	_ =	shalt  }
0x6e: {  	_ =	shalt  }
0x6f: {  	_ =	shalt  }
0x70: {  	_ =	shalt  }
0x71: {  	_ =	shalt  }
0x72: {  	_ =	shalt  }
0x73: {  	_ =	shalt  }
0x74: {  	_ =	shalt  }
0x75: {  	_ =	shalt  }
0x76: {  	_ =	shalt  }
0x77: {  	_ =	shalt  }
0x78: {  	_ =	shalt  }
0x79: {  	_ =	shalt  }
0x7a: {  	_ =	shalt  }
0x7b: {  	_ =	shalt  }
0x7c: {  	_ =	shalt  }
0x7d: {  	_ =	shalt  }
0x7e: {  	_ =	shalt  }
0x7f: {  	_ =	shalt  }
0x80: {  	_ =	shalt  }
0x81: {  	_ =	shalt  }
0x82: {  	_ =	shalt  }
0x83: {  	_ =	shalt  }
0x84: {  	_ =	shalt  }
0x85: {  	_ =	shalt  }
0x86: {  	_ =	shalt  }
0x87: {  	_ =	shalt  }
.Lfunc_end0:
.L_simem_size_0:
called_computation_lowered:
.L_overlay_start_0:
0x88: {  	s2 =	sld [smem:$0x3FD9]  }
0x89: {  	s3 =	sld [smem:$0x3FFE];
	_ =	sdelay $0x1  }
0x8a: {  	s1 =	srdreg.scid  }
0x8b: {  	s0 =	sand.u32 $0x1, s1  }
0x8c: {  	s17 =	sshll.u32 s0, $0xA;
	s2 =	sadd.s32 s3, s2  }
0x8d: {  	s2 =	sadd.s32 s2, s17  }
0x8e: {  	[smem:$0x3FC2] =	sst s2  }
0x8f: {  	_ = 	snop  }
0x90: {  	s2 =	sld [smem:$0x3FD0];
	(tm) =	ssettm $0x1  }
0x91: {  	s18 =	sld [smem:$0x3FFB];
	_ =	sdelay $0x3  }
0x92: {  	_ =	strace s18  }
0x93: {  	s3 =	sld [smem:$0x3FFC];
	_ =	sdelay $0x3  }
0x94: {  	_ =	strace s3  }
0x95: {  	s3 =	sld [smem:$0x3FFD];
	_ =	sdelay $0x3  }
0x96: {  	_ =	strace s3  }
0x97: {  	_ =	strace $0x8FFFFFFF  }
0x98: {  	s19 =	sld [smem:$0x3FDB];
	_ =	sdelay $0x1  }
0x99: {  	s4 =	simm.s32 $_scs_section_size  }
0x9a: {  	s5 =	simm.s32 $_size__tile_overlayer_lowered;
	s6 =	simm.s32 $_tile_overlayer_lowered  }
0x9b: {  	s22 =	simm.s32 $0x1BFF;
	s21 =	sshll.u32 s6, $0x1;
	s3 =	sadd.s32 s4, s19  }
0x9c: {  	s7 =	simm.s32 $0x0;
	s20 =	sshll.u32 s5, $0x1;
	s5 =	sadd.s32 s21, s3  }
0x9d: {  	[timem:s7], [sflag:s22] =	dma.local [hbm:s5], s20  }
0x9e: {  	_ =	swait.ge [sflag:s22], s20  }
0x9f: {  	s4 =	ssub.s32 $0x0, s20;
	[sflag:s22] =	ssyncset.done $0x0  }
0xa0: {  	[sflag:s22] =	ssyncadd.s32 s4;
	_ =	sdelay $0x1  }
0xa1: {  	s23 =	simm.s32 $0x1B8B  }
0xa2: {  	_ =	swait.ge [sflag:s23], $0x1  }
0xa3: {  	[sflag:s23] =	ssyncset.done $0x0  }
0xa4: {  	s25 =	simm.s32 $0x1B8E;
	s24 =	sld [smem:$0x3FFE];
	[sflag:s23] =	ssyncadd.s32 $0xFFFFFFFF  }
0xa5: {  	s26 =	simm.s32 $execute0_lowered;
	[smem:$0x3FD2] =	sst s25  }
0xa6: {  	s5 =	sshll.u32 s26, $0x1;
	_ =	strace $0x80000046;
	[dreg:$0x1] =	wrdreg $0xFFFFFFFF  }
0xa7: {  	s28 =	simm.s32 $_size_execute0_lowered;
	s3 =	sadd.s32 s3, s5;
	[dreg:$0x0] =	wrdreg $0x0  }
0xa8: {  	s5 =	sshll.u32 s28, $0x1;
	[dreg:$0x2] =	wrdreg s3  }
0xa9: {  	[dreg:$0x3] =	wrdreg s5  }
0xaa: {  	[dreg:$0x4] =	wrdreg $0xC0  }
0xab: {  	_ =	task [dreg:s7], $0x5FFFF  }
0xac: {  	[dreg:$0x1] =	wrdreg $0xFFFFFFFF  }
0xad: {  	[dreg:$0x0] =	wrdreg $0x60  }
0xae: {  	[dreg:$0x2] =	wrdreg s2  }
0xaf: {  	[dreg:$0x3] =	wrdreg s24  }
0xb0: {  	[dreg:$0x4] =	wrdreg $0x70000  }
0xb1: {  	[dreg:$0x5] =	wrdreg $0x9  }
0xb2: {  	_ =	task.clear_ibuf [dreg:s7], $0x6FFFF;
	_ =	strace $0x90000046  }
0xb3: {  	s29 =	simm.s32 $0x9;
	_ =	strace $0x80000048  }
0xb4: {  	_ =	swait.ge [sflag:s29], $0x1  }
0xb5: {  	[sflag:s29] =	ssyncadd.s32 $0xFFFFFFFF  }
0xb6: {  	_ =	strace $0x90000048  }
0xb7: {  	_ =	sfence  }
0xb8: {  	s30 =	sld [smem:$0x0];
	_ =	sdelay $0x2  }
0xb9: {  	s31 =	sshll.u32 s1, $0xD;
	s1 =	sshrl.u32 s1, $0x2  }
0xba: {  	s3 =	sand.u32 $0x4000, s31;
	s1 =	sadd.s32 s1, s30  }
0xbb: {  	s0 =	sor.u32 s3, s0;
	s1 =	sshll.u32 s1, $0x11  }
0xbc: {  	s0 =	sor.u32 s1, s0  }
0xbd: {  	s0 =	sadd.s32 $0x8F2B, s0  }
0xbe: {  	[sflag:s0] =	ssyncadd.remote.s32 $0x1  }
0xbf: {  	_ =	sfence.sel $0xFFFF  }
0xc0: {  	[dreg:$0x0] =	wrdreg $0xFFFFFFFF;
	(pc) =	sbr.abs _section_cstart, $3  }
0xc1: {  	[dreg:$0x1] =	wrdreg $0xFFFFFFFF  }
0xc2: {  	_ =	task.clear_ibuf [dreg:s7], $0x2FFFF;
	_ =	strace $0x9FFFFFFF  }
0xc3: {  	(tm) =	ssettm $0x7FFFFFFF  }
tec
execute0_lowered:
.L_overlay_start_1:
0x0: {  	(tag) =	ssettag $0x1  }
0x1: {  	s6 =	rddreg [dreg:$0x0]  }
0x2: {  	s4 =	rddreg [dreg:$0x1]  }
0x3: {  	s1 =	srdreg.scid;
	s0 =	stileid.u32  }
0x4: {  	s2 =	rddreg [dreg:$0x2];
	s7 =	smul.u32 $0x2800, s0  }
0x5: {  	s3 =	simm.s32 $0x0;
	s13 =	simm.s32 $0x1;
	s9 =	smul.u32 $0xA000, s0  }
0x6: {  	s5 =	sand.u32 $0x1, s1;
	s1 =	rddreg [dreg:$0x3];
	s11 =	smul.u32 $0x5000, s0  }
0x7: {  	s16 =	simm.s32 $0x0;
	[smem:$0x7FF] =	sst s3;
	s8 =	smul.u32 $0x28000, s5  }
0x8: {  	s14 =	sshll.u32 s0, $0x6;
	s10 =	smul.u32 $0x50000, s5;
	s5 =	ssub.s32 $0x2, s5  }
0x9: {  	_ =	strace $0x80000047;
	s14 =	sor.u32 $0x1C02, s14;
	s28 =	sshrl.u32 s5, $0x1  }
0xa: {  	s9 =	sshrl.u32 s9, $0x2;
	s8 =	sadd.s32 s7, s8;
	s12 =	ssub.s32 s5, s28  }
0xb: {  	s29 =	sadd.s32 s9, s2;
	s30 =	sadd.s32 s11, s10;
	s9 =	simm.s32 $0x5000  }
0xc: {  	s10 =	simm.s32 $0x2;
	s11 =	simm.s32 $0x200;
	s8 =	sshrl.u32 s8, $0x3  }
0xd: {  	s5 =	sadd.s32 $0x2000, s29;
	s31 =	sshrl.u32 s30, $0x3;
	s8 =	sadd.s32 s8, s4  }
0xe: {  	s4 =	sadd.s32 s7, s2;
	s6 =	sadd.s32 s6, s31;
	s7 =	sadd.s32 $0x1E00, s8  }
0xf: {  	v0 =	vimm.f32 $0.0e+00;
	v1 =	vimm.f32 $1.000000000e+00;
	s8 =	smax.u32 s12, $0x1;
	s12 =	simm.s32 $0x400;
	s15 =	sshrl.u32 s4, $0x3  }
.LBB2_1:
0x10: {  	s17 =	simm.s32 $0x40;
	s18 =	simm.s32 $0x0  }
.LBB2_2:
0x11: {  	p0 =	sne.s32 s17, $0x7FC0;
	[tilespmem:s18+$0x5000] =	vst v0;
	s18 =	smov.u32 s17;
	s17 =	sadd.s32 $0x40, s17  }
.Ltmp0:
0x12: {  	(pc) =	sbr.rel @p0 .LBB2_2-.Ltmp0, $2  }
0x13: {  	_ =	sdelay $0x2  }
0x14: {  	s18 =	sshra.s32 s18, $0x2  }
0x15: {  	[tilespmem:s18+$0x5000] =	vst v0  }
0x16: {  	[spmem:s4] =	stream.linear.scatter [tilespmem:s9], [sflag:$0x2], $0x2000, $0x38;
	[tilespmem:$0x9800] =	vst v63  }
0x17: {  	_ =	swait.ge [sflag:s10], $0x2000  }
0x18: {  	[sflag:s10] =	ssyncset.done $0x0  }
0x19: {  	[sflag:s10] =	ssyncadd.s32 $0xFFFFE000  }
0x1a: {  	[spmem:s5] =	stream.linear.scatter [tilespmem:s9], [sflag:$0x2], $0x800, $0x38;
	[tilespmem:$0x9800] =	vst v63  }
0x1b: {  	_ =	swait.ge [sflag:s10], $0x800  }
0x1c: {  	[sflag:s10] =	ssyncset.done $0x0  }
0x1d: {  	s17 =	simm.s32 $0x40;
	s18 =	simm.s32 $0x0;
	[sflag:s10] =	ssyncadd.s32 $0xFFFFF800  }
.LBB2_4:
0x1e: {  	p0 =	sne.s32 s17, $0x7FC0;
	[tilespmem:s18+$0x5000] =	vst v1;
	s18 =	smov.u32 s17;
	s17 =	sadd.s32 $0x40, s17  }
.Ltmp1:
0x1f: {  	(pc) =	sbr.rel @p0 .LBB2_4-.Ltmp1, $2  }
0x20: {  	_ =	sdelay $0x2  }
0x21: {  	s18 =	sshra.s32 s18, $0x2  }
0x22: {  	[tilespmem:s18+$0x5000] =	vst v1  }
0x23: {  	[tilespmem:s3], [sflag:$0x2] =	stream.linear.gather [hbm4b:s6+s3], $0x5000, $0x38;
	[tilespmem:$0x9800] =	vst v63  }
0x24: {  	_ =	swait.ge [sflag:s10], $0x5000  }
0x25: {  	[sflag:s10] =	ssyncset.done $0x0  }
0x26: {  	[sflag:s10] =	ssyncadd.s32 $0xFFFFB000  }
0x27: {  	[bflag:$0x0] =	sbarrier.arrive $0xFFFF  }
0x28: {  	[spmem:s2] =	stream.indirect.scatter.add.f32 [tilespmem:s9], [sflag:$0x1], $0x10, s3, s11, $0xb8;
	[tilespmem:$0x9800] =	vst v63  }
0x29: {  	_ = 	snop  }
0x2a: {  	[spmem:s2] =	stream.indirect.scatter.add.f32 [tilespmem:s9], [sflag:$0x1], $0x10, s11, s11, $0xb8;
	[tilespmem:$0x9800] =	vst v63  }
0x2b: {  	_ = 	snop  }
0x2c: {  	[spmem:s2] =	stream.indirect.scatter.add.f32 [tilespmem:s9], [sflag:$0x1], $0x10, s12, s11, $0xb8;
	[tilespmem:$0x9800] =	vst v63  }
0x2d: {  	s17 =	simm.s32 $0x600  }
0x2e: {  	[spmem:s2] =	stream.indirect.scatter.add.f32 [tilespmem:s9], [sflag:$0x1], $0x10, s17, s11, $0xb8;
	[tilespmem:$0x9800] =	vst v63  }
0x2f: {  	_ =	swait.ge [sflag:s13], $0x2000  }
0x30: {  	s17 =	simm.s32 $0x2000;
	[sflag:s13] =	ssyncset.done $0x0  }
.LBB2_6:
0x31: {  	s18 =	sshra.s32 s17, $0x2;
	[sflag:s13] =	ssyncadd.s32 $0xFFFFE000;
	p0 =	sne.s32 s17, $0x13800  }
0x32: {  	[spmem:s2] =	stream.indirect.scatter.add.f32 [tilespmem:s9], [sflag:$0x1], $0x10, s18, s11, $0xb8;
	[tilespmem:$0x9800] =	vst v63  }
.Ltmp2:
0x33: {  	_ = 	snop;
	(pc) =	sbr.rel @p0 .LBB2_6-.Ltmp2, $4  }
0x34: {  	_ = 	snop  }
0x35: {  	s17 =	sadd.s32 $0x800, s17  }
0x36: {  	_ =	swait.ge [sflag:s13], $0x2000  }
0x37: {  	[sflag:s13] =	ssyncset.done $0x0  }
0x38: {  	[sflag:s13] =	ssyncadd.s32 $0xFFFFE000  }
0x39: {  	_ =	swait.ge [sflag:s13], $0x2000  }
0x3a: {  	[sflag:s13] =	ssyncset.done $0x0  }
0x3b: {  	[sflag:s13] =	ssyncadd.s32 $0xFFFFE000  }
0x3c: {  	_ =	swait.ge [sflag:s13], $0x2000  }
0x3d: {  	[sflag:s13] =	ssyncset.done $0x0  }
0x3e: {  	[sflag:s13] =	ssyncadd.s32 $0xFFFFE000  }
0x3f: {  	_ =	swait.ge [sflag:s13], $0x2000  }
0x40: {  	s16 =	sadd.s32 $0x1, s16;
	[sflag:s13] =	ssyncset.done $0x0  }
0x41: {  	p0 =	sne.s32 s16, s8;
	[sflag:s13] =	ssyncadd.s32 $0xFFFFE000  }
.Ltmp3:
0x42: {  	[bflag:$0x0] =	sbarrier.arrive $0xFFFF;
	(pc) =	sbr.rel @p0 .LBB2_1-.Ltmp3, $4  }
0x43: {  	[hbm:s7], [sflag:s14] =	dma.local [spmem:s15], $0x500  }
0x44: {  	_ =	swait.ge [sflag:s10], $0x500  }
0x45: {  	[sflag:s10] =	ssyncset.done $0x0  }
0x46: {  	[sflag:s10] =	ssyncadd.s32 $0xFFFFFB00  }
0x47: {  	_ =	sfence.sel $0x180000  }
0x48: {  	[bflag:$0x0] =	sbarrier.arrive $0xFFFF  }
0x49: {  	p0 =	sne.s32 s0, $0x0;
	_ =	strace $0x90000047  }
0x4a: {  	s0 =	sadd.s32 @!p0 $0x100000, s1;
	[bflag:$0x2] =	sbarrier.arrive $0xFFFF  }
0x4b: {  	[sflag:s0] =	ssyncadd.tile.s32 @!p0 $0x1;
	_ =	shalt  }
.Lfunc_end2:
_tile_overlayer_lowered:
.L_overlay_start_2:
0x4c: {  	(tag) =	ssettag $0x2  }
0x4d: {  	s0 =	rddreg [dreg:$0x0];
	s2 =	stileid.u32  }
0x4e: {  	s1 =	rddreg [dreg:$0x1];
	p0 =	sne.s32 s2, $0x0  }
0x4f: {  	s3 =	rddreg [dreg:$0x2];
	[bflag:$0x3] =	sbarrier.arrive $0xFFFF;
	s2 =	simm.s32 @!p0 $0x1C02  }
0x50: {  	[timem:s3], [sflag:s2] =	dma.local @!p0 [hbm:s0], s1  }
0x51: {  	s0 =	simm.s32 @!p0 $0x2  }
0x52: {  	_ =	swait.ge @!p0 [sflag:s0], s1  }
0x53: {  	s1 =	ssub.s32 @!p0 $0x0, s1;
	[sflag:s0] =	ssyncset.done @!p0 $0x0  }
0x54: {  	[sflag:s0] =	ssyncadd.s32 @!p0 s1  }
0x55: {  	[bflag:$0x3] =	sbarrier.arrive $0xFFFF  }
0x56: {  	_ =	shalt  }

// kernel: kernel.9.cloned.1.call-start
scs
__scs_entry_jumppad:
0x0: {  	(pc) =	sbr.rel $0x88, $3  }
0x1: {  	(tag) =	ssettag $0x0;
	lr =	simm.s32 $0x1  }
0x2: {  	[smem:$0x3F9B] =	sst lr;
	_ =	strace $0xD0000000  }
0x3: {  	_ = 	snop  }
0x4: {  	_ = 	snop  }
0x5: {  	_ = 	snop  }
0x6: {  	_ = 	snop  }
0x7: {  	_ = 	snop  }
__scs_overlays_trampoline_lowered:
0x8: {  	[smem:$0x3FAA] =	sst s0  }
0x9: {  	[smem:$0x3FAB] =	sst s1  }
0xa: {  	[smem:$0x3FAC] =	sst s2  }
0xb: {  	[smem:$0x3FAD] =	sst s3  }
0xc: {  	[smem:$0x3FAE] =	sst s4  }
0xd: {  	[smem:$0x3FAF] =	sst s5  }
0xe: {  	[smem:$0x3FB0] =	sst s6  }
0xf: {  	[smem:$0x3FB1] =	sst s7  }
0x10: {  	[smem:$0x3FB2] =	sst s8  }
0x11: {  	[smem:$0x3FB3] =	sst s9;
	s0 =	simm.s32 @!p0 $0x0  }
0x12: {  	s1 =	sld [smem:$0x3F99];
	s0 =	simm.s32 @p0 $0x1  }
0x13: {  	[smem:$0x3FB4] =	sst s0;
	s0 =	simm.s32 @!p1 $0x0  }
0x14: {  	s2 =	sld [smem:$0x3F98];
	s0 =	simm.s32 @p1 $0x1  }
0x15: {  	[smem:$0x3FB5] =	sst s0;
	s0 =	simm.s32 @!p2 $0x0  }
0x16: {  	s3 =	sld [smem:$0x3FDB];
	s0 =	simm.s32 @p2 $0x1  }
0x17: {  	s4 =	simm.s32 $0x1BF5;
	[smem:$0x3FB7] =	sst s0  }
0x18: {  	s0 =	sld [smem:$0x3F9A];
	_ =	swait.ge [sflag:s4], $0x0  }
0x19: {  	s7 =	sld [smem:$0x3F9B]  }
0x1a: {  	s8 =	sadd.s32 $0xFFFFE003, lr  }
0x1b: {  	s9 =	sadd.s32 $0xFFFFFEF7, lr;
	s5 =	simm.s32 $0xFFFFFFFF;
	p2 =	slt.u32 s8, $0xFFFFF086  }
0x1c: {  	p1 =	slt.u32 s9, $0xF7A;
	s5 =	simm.s32 @!p2 $0x0  }
0x1d: {  	s5 =	simm.s32 @p1 $0x1;
	p0 =	seq.s32 s7, s2  }
0x1e: {  	s7 =	smul.u32 @!p0 $0xF7A, s2;
	p2 =	seq.s32 @!p0 s5, $0x0  }
0x1f: {  	s9 =	smul.u32 $0xF7A, s1;
	s8 =	simm.s32 @!p0 $0x1BF5;
	p2 =	por !p2, p0  }
0x20: {  	[sflag:s8] =	ssyncset.s32 @!p0 $0xFFFFF086;
	s6 =	sadd.s32 @!p0 s3, s7;
	s7 =	simm.s32 @!p0 $0x108  }
0x21: {  	s3 =	sadd.s32 s3, s9;
	s6 =	sadd.s32 @!p0 $0x88, s6;
	s7 =	simm.s32 @p2 $0x1082  }
0x22: {  	[simem:s7], [sflag:s8] =	dma.local @!p0 [hbm:s6], $0xF7A  }
0x23: {  	s9 =	sor.u32 $0xD0000000, s2;
	s6 =	simm.s32 $0x108;
	_ =	swait.ge @!p0 [sflag:s8], $0x0  }
0x24: {  	s3 =	sadd.s32 $0x88, s3;
	s6 =	simm.s32 @!p1 $0x1082;
	[sflag:s4] =	ssyncset.s32 $0xFFFFF086  }
0x25: {  	[simem:s6], [sflag:s4] =	dma.local [hbm:s3], $0xF7A  }
0x26: {  	[smem:$0x3F9B] =	sst s1;
	(tag) =	ssettag s2;
	_ =	strace s9  }
0x27: {  	s1 =	sld [smem:$0x3FAB]  }
0x28: {  	s2 =	sld [smem:$0x3FAC]  }
0x29: {  	s4 =	sld [smem:$0x3FAE]  }
0x2a: {  	p0 =	seq.s32 s5, $0x0;
	s5 =	sld [smem:$0x3FAF]  }
0x2b: {  	s6 =	sld [smem:$0x3FB0]  }
0x2c: {  	s7 =	sld [smem:$0x3FB1]  }
0x2d: {  	s3 =	simm.s32 $0x108;
	s8 =	sld [smem:$0x3FB2]  }
0x2e: {  	s3 =	simm.s32 @!p0 $0x1082;
	s9 =	sld [smem:$0x3FB3]  }
0x2f: {  	lr =	sadd.s32 s0, s3;
	s0 =	sld [smem:$0x3FAA]  }
0x30: {  	s3 =	sld [smem:$0x3FAD]  }
0x31: {  	[smem:$0x3FB6] =	sst s10  }
0x32: {  	s10 =	sld [smem:$0x3FB4];
	_ =	sdelay $0x3  }
0x33: {  	p0 =	seq.s32 s10, $0x1;
	s10 =	sld [smem:$0x3FB6];
	_ =	sdelay $0x3  }
0x34: {  	[smem:$0x3FB6] =	sst s10  }
0x35: {  	s10 =	sld [smem:$0x3FB5];
	_ =	sdelay $0x3  }
0x36: {  	p1 =	seq.s32 s10, $0x1;
	s10 =	sld [smem:$0x3FB6];
	_ =	sdelay $0x3  }
0x37: {  	[smem:$0x3FB6] =	sst s10  }
0x38: {  	s10 =	sld [smem:$0x3FB7]  }
0x39: {  	_ = 	snop;
	(pc) =	sbr.ind lr, $3  }
0x3a: {  	_ = 	snop  }
0x3b: {  	_ = 	snop  }
0x3c: {  	p2 =	seq.s32 s10, $0x1;
	s10 =	sld [smem:$0x3FB6]  }
0x3d: {  	_ =	shalt  }
0x3e: {  	_ =	shalt  }
0x3f: {  	_ =	shalt  }
0x40: {  	_ =	shalt  }
0x41: {  	_ =	shalt  }
0x42: {  	_ =	shalt  }
0x43: {  	_ =	shalt  }
0x44: {  	_ =	shalt  }
0x45: {  	_ =	shalt  }
0x46: {  	_ =	shalt  }
0x47: {  	_ =	shalt  }
0x48: {  	_ =	shalt  }
0x49: {  	_ =	shalt  }
0x4a: {  	_ =	shalt  }
0x4b: {  	_ =	shalt  }
0x4c: {  	_ =	shalt  }
0x4d: {  	_ =	shalt  }
0x4e: {  	_ =	shalt  }
0x4f: {  	_ =	shalt  }
0x50: {  	_ =	shalt  }
0x51: {  	_ =	shalt  }
0x52: {  	_ =	shalt  }
0x53: {  	_ =	shalt  }
0x54: {  	_ =	shalt  }
0x55: {  	_ =	shalt  }
0x56: {  	_ =	shalt  }
0x57: {  	_ =	shalt  }
0x58: {  	_ =	shalt  }
0x59: {  	_ =	shalt  }
0x5a: {  	_ =	shalt  }
0x5b: {  	_ =	shalt  }
0x5c: {  	_ =	shalt  }
0x5d: {  	_ =	shalt  }
0x5e: {  	_ =	shalt  }
0x5f: {  	_ =	shalt  }
0x60: {  	_ =	shalt  }
0x61: {  	_ =	shalt  }
0x62: {  	_ =	shalt  }
0x63: {  	_ =	shalt  }
0x64: {  	_ =	shalt  }
0x65: {  	_ =	shalt  }
0x66: {  	_ =	shalt  }
0x67: {  	_ =	shalt  }
0x68: {  	_ =	shalt  }
0x69: {  	_ =	shalt  }
0x6a: {  	_ =	shalt  }
0x6b: {  	_ =	shalt  }
0x6c: {  	_ =	shalt  }
0x6d: {  	_ =	shalt  }
0x6e: {  	_ =	shalt  }
0x6f: {  	_ =	shalt  }
0x70: {  	_ =	shalt  }
0x71: {  	_ =	shalt  }
0x72: {  	_ =	shalt  }
0x73: {  	_ =	shalt  }
0x74: {  	_ =	shalt  }
0x75: {  	_ =	shalt  }
0x76: {  	_ =	shalt  }
0x77: {  	_ =	shalt  }
0x78: {  	_ =	shalt  }
0x79: {  	_ =	shalt  }
0x7a: {  	_ =	shalt  }
0x7b: {  	_ =	shalt  }
0x7c: {  	_ =	shalt  }
0x7d: {  	_ =	shalt  }
0x7e: {  	_ =	shalt  }
0x7f: {  	_ =	shalt  }
0x80: {  	_ =	shalt  }
0x81: {  	_ =	shalt  }
0x82: {  	_ =	shalt  }
0x83: {  	_ =	shalt  }
0x84: {  	_ =	shalt  }
0x85: {  	_ =	shalt  }
0x86: {  	_ =	shalt  }
0x87: {  	_ =	shalt  }
.Lfunc_end0:
.L_simem_size_0:
called_computation.1_lowered:
.L_overlay_start_0:
0x88: {  	s2 =	sld [smem:$0x3FD9]  }
0x89: {  	s3 =	sld [smem:$0x3FFE];
	_ =	sdelay $0x1  }
0x8a: {  	s1 =	srdreg.scid  }
0x8b: {  	s0 =	sand.u32 $0x1, s1  }
0x8c: {  	s17 =	sshll.u32 s0, $0xA;
	s2 =	sadd.s32 s3, s2  }
0x8d: {  	s2 =	sadd.s32 s2, s17  }
0x8e: {  	[smem:$0x3FC2] =	sst s2  }
0x8f: {  	_ = 	snop  }
0x90: {  	s2 =	sld [smem:$0x3FD0];
	(tm) =	ssettm $0x1  }
0x91: {  	s18 =	sld [smem:$0x3FFB];
	_ =	sdelay $0x3  }
0x92: {  	_ =	strace s18  }
0x93: {  	s3 =	sld [smem:$0x3FFC];
	_ =	sdelay $0x3  }
0x94: {  	_ =	strace s3  }
0x95: {  	s3 =	sld [smem:$0x3FFD];
	_ =	sdelay $0x3  }
0x96: {  	_ =	strace s3  }
0x97: {  	_ =	strace $0x8FFFFFFF  }
0x98: {  	s19 =	sld [smem:$0x3FDB];
	_ =	sdelay $0x1  }
0x99: {  	s4 =	simm.s32 $_scs_section_size  }
0x9a: {  	s5 =	simm.s32 $_size__tile_overlayer_lowered;
	s6 =	simm.s32 $_tile_overlayer_lowered  }
0x9b: {  	s22 =	simm.s32 $0x1BFF;
	s21 =	sshll.u32 s6, $0x1;
	s3 =	sadd.s32 s4, s19  }
0x9c: {  	s7 =	simm.s32 $0x0;
	s20 =	sshll.u32 s5, $0x1;
	s5 =	sadd.s32 s21, s3  }
0x9d: {  	[timem:s7], [sflag:s22] =	dma.local [hbm:s5], s20  }
0x9e: {  	_ =	swait.ge [sflag:s22], s20  }
0x9f: {  	s4 =	ssub.s32 $0x0, s20;
	[sflag:s22] =	ssyncset.done $0x0  }
0xa0: {  	[sflag:s22] =	ssyncadd.s32 s4;
	_ =	sdelay $0x1  }
0xa1: {  	s23 =	simm.s32 $0x1B8B  }
0xa2: {  	_ =	swait.ge [sflag:s23], $0x1  }
0xa3: {  	[sflag:s23] =	ssyncset.done $0x0  }
0xa4: {  	s25 =	simm.s32 $0x1B8E;
	s24 =	sld [smem:$0x3FFE];
	[sflag:s23] =	ssyncadd.s32 $0xFFFFFFFF  }
0xa5: {  	s26 =	simm.s32 $execute0_lowered;
	[smem:$0x3FD2] =	sst s25  }
0xa6: {  	s5 =	sshll.u32 s26, $0x1;
	_ =	strace $0x80000049;
	[dreg:$0x1] =	wrdreg $0xFFFFFFFF  }
0xa7: {  	s28 =	simm.s32 $_size_execute0_lowered;
	s3 =	sadd.s32 s3, s5;
	[dreg:$0x0] =	wrdreg $0x0  }
0xa8: {  	s5 =	sshll.u32 s28, $0x1;
	[dreg:$0x2] =	wrdreg s3  }
0xa9: {  	[dreg:$0x3] =	wrdreg s5  }
0xaa: {  	[dreg:$0x4] =	wrdreg $0xC0  }
0xab: {  	_ =	task [dreg:s7], $0x5FFFF  }
0xac: {  	[dreg:$0x1] =	wrdreg $0xFFFFFFFF  }
0xad: {  	[dreg:$0x0] =	wrdreg $0x60  }
0xae: {  	[dreg:$0x2] =	wrdreg s24  }
0xaf: {  	[dreg:$0x3] =	wrdreg s2  }
0xb0: {  	[dreg:$0x4] =	wrdreg $0x140000  }
0xb1: {  	[dreg:$0x5] =	wrdreg $0x9  }
0xb2: {  	_ =	task.clear_ibuf [dreg:s7], $0x6FFFF;
	_ =	strace $0x90000049  }
0xb3: {  	s29 =	simm.s32 $0x9;
	_ =	strace $0x8000004B  }
0xb4: {  	_ =	swait.ge [sflag:s29], $0x1  }
0xb5: {  	[sflag:s29] =	ssyncadd.s32 $0xFFFFFFFF  }
0xb6: {  	_ =	strace $0x9000004B  }
0xb7: {  	_ =	sfence  }
0xb8: {  	s30 =	sld [smem:$0x0];
	_ =	sdelay $0x2  }
0xb9: {  	s31 =	sshll.u32 s1, $0xD;
	s1 =	sshrl.u32 s1, $0x2  }
0xba: {  	s3 =	sand.u32 $0x4000, s31;
	s1 =	sadd.s32 s1, s30  }
0xbb: {  	s0 =	sor.u32 s3, s0;
	s1 =	sshll.u32 s1, $0x11  }
0xbc: {  	s0 =	sor.u32 s1, s0  }
0xbd: {  	s0 =	sadd.s32 $0x8F2B, s0  }
0xbe: {  	[sflag:s0] =	ssyncadd.remote.s32 $0x1  }
0xbf: {  	_ =	sfence.sel $0xFFFF  }
0xc0: {  	[dreg:$0x0] =	wrdreg $0xFFFFFFFF;
	(pc) =	sbr.abs _section_cstart, $3  }
0xc1: {  	[dreg:$0x1] =	wrdreg $0xFFFFFFFF  }
0xc2: {  	_ =	task.clear_ibuf [dreg:s7], $0x2FFFF;
	_ =	strace $0x9FFFFFFF  }
0xc3: {  	(tm) =	ssettm $0x7FFFFFFF  }
tec
execute0_lowered:
.L_overlay_start_1:
0x0: {  	(tag) =	ssettag $0x1  }
0x1: {  	s0 =	rddreg [dreg:$0x0];
	s1 =	srdreg.scid  }
0x2: {  	s3 =	rddreg [dreg:$0x1];
	s8 =	stileid.u32  }
0x3: {  	s2 =	rddreg [dreg:$0x2];
	s7 =	simm.s32 $0x0;
	s14 =	simm.s32 $0x9  }
0x4: {  	s15 =	simm.s32 $0x5000;
	s16 =	simm.s32 $0xA000;
	s17 =	simm.s32 $0xA0  }
0x5: {  	s18 =	simm.s32 $0xC800;
	s20 =	simm.s32 $0xF000;
	s5 =	smul.u32 $0x5000, s8  }
0x6: {  	s28 =	simm.s32 $0x5140;
	s29 =	simm.s32 $0x4;
	s6 =	smul.u32 $0xA000, s8  }
0x7: {  	s30 =	simm.s32 $0x51E0;
	s1 =	sand.u32 $0x1, s1;
	s8 =	smul.u32 $0x28000, s8  }
0x8: {  	s31 =	simm.s32 $0x5;
	[smem:$0x7FF] =	sst s7;
	s4 =	smul.u32 $0x50000, s1  }
0x9: {  	s22 =	smul.u32 $0x140000, s1;
	_ =	strace $0x8000004A;
	s1 =	ssub.s32 $0x2, s1  }
0xa: {  	s23 =	sshrl.u32 s1, $0x1;
	s8 =	sshrl.u32 s8, $0x2;
	s5 =	sadd.s32 s5, s4  }
0xb: {  	s4 =	sadd.s32 $0x1FE00, s0;
	s7 =	sadd.s32 s6, s22;
	s1 =	ssub.s32 s1, s23  }
0xc: {  	s25 =	sadd.s32 s8, s2;
	s22 =	simm.s32 $0x11800;
	s23 =	simm.s32 $0x1  }
0xd: {  	s5 =	sshrl.u32 s5, $0x3;
	s7 =	sshrl.u32 s7, $0x3;
	s8 =	sadd.s32 $0x2800, s25  }
0xe: {  	s10 =	sadd.s32 $0x7800, s25;
	s13 =	smax.u32 s1, $0x1;
	s1 =	simm.s32 $0x6  }
0xf: {  	s9 =	sadd.s32 s5, s0;
	s0 =	sadd.s32 s7, s0;
	s3 =	sadd.s32 s3, s5  }
0x10: {  	s7 =	sadd.s32 s6, s2;
	s24 =	sadd.s32 $0xBE00, s9;
	[dreg:$0x5] =	wrdreg s3  }
0x11: {  	s5 =	simm.s32 $0x0;
	s26 =	sadd.s32 $0x6FE00, s0;
	[dreg:$0x4] =	wrdreg s24  }
0x12: {  	s9 =	sadd.s32 $0x5000, s25;
	s0 =	sadd.s32 $0x83E00, s0;
	[dreg:$0x6] =	wrdreg s26  }
0x13: {  	s25 =	simm.s32 $0x50A0;
	s3 =	simm.s32 $0x8;
	[dreg:$0x7] =	wrdreg s0  }
0x14: {  	v0 =	vimm.f32 $0.0e+00;
	s24 =	simm.s32 $0x2;
	s26 =	simm.s32 $0x3;
	s0 =	simm.s32 $0x7  }
.LBB2_1:
0x15: {  	s6 =	simm.s32 $0x0;
	s11 =	rddreg [dreg:$0x4]  }
0x16: {  	[tilespmem:s6], [sflag:$0x9] =	stream.linear.gather [hbm4b:s11+s6], $0x5000, $0x38;
	[tilespmem:$0x1E000] =	vst v63  }
0x17: {  	_ =	swait.ge [sflag:s14], $0x5000  }
0x18: {  	[sflag:s14] =	ssyncset.done $0x0  }
0x19: {  	s21 =	rddreg [dreg:$0x5];
	[sflag:s14] =	ssyncadd.s32 $0xFFFFB000  }
0x1a: {  	[tilespmem:s15], [sflag:$0x9] =	stream.linear.gather [hbm4b:s21+s6], $0x5000, $0x38;
	[tilespmem:$0x1E000] =	vst v63  }
0x1b: {  	_ =	swait.ge [sflag:s14], $0x5000  }
0x1c: {  	[sflag:s14] =	ssyncset.done $0x0  }
0x1d: {  	s11 =	simm.s32 $0x100;
	s6 =	simm.s32 $0x0;
	[sflag:s14] =	ssyncadd.s32 $0xFFFFB000  }
.LBB2_2:
0x1e: {  	p0 =	sne.s32 s11, $0x9F00;
	[tilespmem:s6+$0xA030] =	vst v0;
	s12 =	smov.u32 s11;
	s11 =	sadd.s32 $0x100, s11  }
.Ltmp0:
0x1f: {  	[tilespmem:s6+$0xA020] =	vst v0;
	(pc) =	sbr.rel @p0 .LBB2_2-.Ltmp0, $3  }
0x20: {  	[tilespmem:s6+$0xA000] =	vst v0  }
0x21: {  	[tilespmem:s6+$0xA010] =	vst v0;
	_ =	sdelay $0x1  }
0x22: {  	s6 =	sshra.s32 s12, $0x2  }
0x23: {  	[tilespmem:s6+$0xA030] =	vst v0  }
0x24: {  	[tilespmem:s6+$0xA020] =	vst v0  }
0x25: {  	[tilespmem:s6+$0xA000] =	vst v0  }
0x26: {  	[tilespmem:s6+$0xA010] =	vst v0  }
0x27: {  	[spmem:s7] =	stream.linear.scatter [tilespmem:s16], [sflag:$0x9], $0x2800, $0x38;
	[tilespmem:$0x1E000] =	vst v63  }
0x28: {  	_ =	swait.ge [sflag:s14], $0x2800  }
0x29: {  	[sflag:s14] =	ssyncset.done $0x0  }
0x2a: {  	[sflag:s14] =	ssyncadd.s32 $0xFFFFD800  }
0x2b: {  	[spmem:s8] =	stream.linear.scatter [tilespmem:s16], [sflag:$0x9], $0x2800, $0x38;
	[tilespmem:$0x1E000] =	vst v63  }
0x2c: {  	_ =	swait.ge [sflag:s14], $0x2800  }
0x2d: {  	[sflag:s14] =	ssyncset.done $0x0  }
0x2e: {  	[sflag:s14] =	ssyncadd.s32 $0xFFFFD800  }
0x2f: {  	[spmem:s9] =	stream.linear.scatter [tilespmem:s16], [sflag:$0x9], $0x2800, $0x38;
	[tilespmem:$0x1E000] =	vst v63  }
0x30: {  	_ =	swait.ge [sflag:s14], $0x2800  }
0x31: {  	[sflag:s14] =	ssyncset.done $0x0  }
0x32: {  	[sflag:s14] =	ssyncadd.s32 $0xFFFFD800  }
0x33: {  	[spmem:s10] =	stream.linear.scatter [tilespmem:s16], [sflag:$0x9], $0x2800, $0x38;
	[tilespmem:$0x1E000] =	vst v63  }
0x34: {  	_ =	swait.ge [sflag:s14], $0x2800  }
0x35: {  	[sflag:s14] =	ssyncset.done $0x0  }
0x36: {  	[sflag:s14] =	ssyncadd.s32 $0xFFFFD800  }
0x37: {  	s19 =	simm.s32 $0x0;
	[bflag:$0x0] =	sbarrier.arrive $0xFFFF  }
0x38: {  	[tilespmem:s16], [sflag:$0x1] =	stream.indirect.gather [hbm4b:s4+s17], $0x40, s19, s17, $0xb8;
	[tilespmem:$0x1E000] =	vst v63  }
0x39: {  	_ = 	snop  }
0x3a: {  	[tilespmem:s18], [sflag:$0x2] =	stream.indirect.gather [hbm4b:s4+s17], $0x40, s17, s17, $0xb8;
	[tilespmem:$0x1E000] =	vst v63  }
0x3b: {  	s21 =	simm.s32 $0x140  }
0x3c: {  	[tilespmem:s20], [sflag:$0x3] =	stream.indirect.gather [hbm4b:s4+s17], $0x40, s21, s17, $0xb8;
	[tilespmem:$0x1E000] =	vst v63  }
0x3d: {  	s11 =	simm.s32 $0x1E0  }
0x3e: {  	[tilespmem:s22], [sflag:$0x4] =	stream.indirect.gather [hbm4b:s4+s17], $0x40, s11, s17, $0xb8;
	[tilespmem:$0x1E000] =	vst v63  }
0x3f: {  	_ =	swait.ge [sflag:s23], $0x2800  }
0x40: {  	[sflag:s23] =	ssyncset.done $0x0  }
0x41: {  	[sflag:s23] =	ssyncadd.s32 $0xFFFFD800  }
0x42: {  	[spmem:s2] =	stream.indirect.scatter.add.f32 [tilespmem:s16], [sflag:$0x5], $0x40, s15, s17, $0xb8;
	[tilespmem:$0x1E000] =	vst v63  }
0x43: {  	_ =	swait.ge [sflag:s24], $0x2800  }
0x44: {  	[sflag:s24] =	ssyncset.done $0x0  }
0x45: {  	[sflag:s24] =	ssyncadd.s32 $0xFFFFD800  }
0x46: {  	[spmem:s2] =	stream.indirect.scatter.add.f32 [tilespmem:s18], [sflag:$0x6], $0x40, s25, s17, $0xb8;
	[tilespmem:$0x1E000] =	vst v63  }
0x47: {  	_ =	swait.ge [sflag:s26], $0x2800  }
0x48: {  	[sflag:s26] =	ssyncset.done $0x0  }
0x49: {  	[sflag:s26] =	ssyncadd.s32 $0xFFFFD800  }
0x4a: {  	[spmem:s2] =	stream.indirect.scatter.add.f32 [tilespmem:s20], [sflag:$0x7], $0x40, s28, s17, $0xb8;
	[tilespmem:$0x1E000] =	vst v63  }
0x4b: {  	_ =	swait.ge [sflag:s29], $0x2800  }
0x4c: {  	[sflag:s29] =	ssyncset.done $0x0  }
0x4d: {  	[sflag:s29] =	ssyncadd.s32 $0xFFFFD800  }
0x4e: {  	[spmem:s2] =	stream.indirect.scatter.add.f32 [tilespmem:s22], [sflag:$0x8], $0x40, s30, s17, $0xb8;
	[tilespmem:$0x1E000] =	vst v63  }
0x4f: {  	_ =	swait.ge [sflag:s31], $0x2800  }
0x50: {  	[sflag:s31] =	ssyncset.done $0x0  }
0x51: {  	s12 =	simm.s32 $0x280;
	[sflag:s31] =	ssyncadd.s32 $0xFFFFD800  }
0x52: {  	[tilespmem:s16], [sflag:$0x1] =	stream.indirect.gather [hbm4b:s4+s17], $0x40, s12, s17, $0xb8;
	[tilespmem:$0x1E000] =	vst v63  }
0x53: {  	_ =	swait.ge [sflag:s1], $0x2800  }
0x54: {  	[sflag:s1] =	ssyncset.done $0x0  }
0x55: {  	s19 =	simm.s32 $0x320;
	[sflag:s1] =	ssyncadd.s32 $0xFFFFD800  }
0x56: {  	[tilespmem:s18], [sflag:$0x2] =	stream.indirect.gather [hbm4b:s4+s17], $0x40, s19, s17, $0xb8;
	[tilespmem:$0x1E000] =	vst v63  }
0x57: {  	_ =	swait.ge [sflag:s0], $0x2800  }
0x58: {  	[sflag:s0] =	ssyncset.done $0x0  }
0x59: {  	s21 =	simm.s32 $0x3C0;
	[sflag:s0] =	ssyncadd.s32 $0xFFFFD800  }
0x5a: {  	[tilespmem:s20], [sflag:$0x3] =	stream.indirect.gather [hbm4b:s4+s17], $0x40, s21, s17, $0xb8;
	[tilespmem:$0x1E000] =	vst v63  }
0x5b: {  	_ =	swait.ge [sflag:s3], $0x2800  }
0x5c: {  	[sflag:s3] =	ssyncset.done $0x0  }
0x5d: {  	s11 =	simm.s32 $0x460;
	[sflag:s3] =	ssyncadd.s32 $0xFFFFD800  }
0x5e: {  	[tilespmem:s22], [sflag:$0x4] =	stream.indirect.gather [hbm4b:s4+s17], $0x40, s11, s17, $0xb8;
	[tilespmem:$0x1E000] =	vst v63  }
0x5f: {  	_ =	swait.ge [sflag:s23], $0x2800  }
0x60: {  	[sflag:s23] =	ssyncset.done $0x0  }
0x61: {  	s12 =	simm.s32 $0x5280;
	[sflag:s23] =	ssyncadd.s32 $0xFFFFD800  }
0x62: {  	[spmem:s2] =	stream.indirect.scatter.add.f32 [tilespmem:s16], [sflag:$0x5], $0x40, s12, s17, $0xb8;
	[tilespmem:$0x1E000] =	vst v63  }
0x63: {  	_ =	swait.ge [sflag:s24], $0x2800  }
0x64: {  	[sflag:s24] =	ssyncset.done $0x0  }
0x65: {  	s19 =	simm.s32 $0x5320;
	[sflag:s24] =	ssyncadd.s32 $0xFFFFD800  }
0x66: {  	[spmem:s2] =	stream.indirect.scatter.add.f32 [tilespmem:s18], [sflag:$0x6], $0x40, s19, s17, $0xb8;
	[tilespmem:$0x1E000] =	vst v63  }
0x67: {  	_ =	swait.ge [sflag:s26], $0x2800  }
0x68: {  	[sflag:s26] =	ssyncset.done $0x0  }
0x69: {  	s21 =	simm.s32 $0x53C0;
	[sflag:s26] =	ssyncadd.s32 $0xFFFFD800  }
0x6a: {  	[spmem:s2] =	stream.indirect.scatter.add.f32 [tilespmem:s20], [sflag:$0x7], $0x40, s21, s17, $0xb8;
	[tilespmem:$0x1E000] =	vst v63  }
0x6b: {  	_ =	swait.ge [sflag:s29], $0x2800  }
0x6c: {  	[sflag:s29] =	ssyncset.done $0x0  }
0x6d: {  	s6 =	simm.s32 $0xA00;
	s11 =	simm.s32 $0x5460;
	[sflag:s29] =	ssyncadd.s32 $0xFFFFD800  }
.LBB2_4:
0x6e: {  	[spmem:s2] =	stream.indirect.scatter.add.f32 [tilespmem:s22], [sflag:$0x8], $0x40, s11, s17, $0xb8;
	[tilespmem:$0x1E000] =	vst v63  }
0x6f: {  	s11 =	smov.u32 s6  }
0x70: {  	p0 =	sne.s32 s6, $0x12C00;
	s6 =	sadd.s32 $0xA00, s6;
	_ =	swait.ge [sflag:s31], $0x2800  }
0x71: {  	s11 =	sshra.s32 s11, $0x2;
	[sflag:s31] =	ssyncset.done $0x0  }
0x72: {  	s12 =	sadd.s32 $0x280, s11;
	[sflag:s31] =	ssyncadd.s32 $0xFFFFD800  }
0x73: {  	[tilespmem:s16], [sflag:$0x1] =	stream.indirect.gather [hbm4b:s4+s17], $0x40, s12, s17, $0xb8;
	[tilespmem:$0x1E000] =	vst v63  }
0x74: {  	_ =	swait.ge [sflag:s1], $0x2800  }
0x75: {  	[sflag:s1] =	ssyncset.done $0x0  }
0x76: {  	s12 =	sadd.s32 $0x320, s11;
	[sflag:s1] =	ssyncadd.s32 $0xFFFFD800  }
0x77: {  	[tilespmem:s18], [sflag:$0x2] =	stream.indirect.gather [hbm4b:s4+s17], $0x40, s12, s17, $0xb8;
	[tilespmem:$0x1E000] =	vst v63  }
0x78: {  	_ =	swait.ge [sflag:s0], $0x2800  }
0x79: {  	[sflag:s0] =	ssyncset.done $0x0  }
0x7a: {  	s12 =	sadd.s32 $0x3C0, s11;
	[sflag:s0] =	ssyncadd.s32 $0xFFFFD800  }
0x7b: {  	[tilespmem:s20], [sflag:$0x3] =	stream.indirect.gather [hbm4b:s4+s17], $0x40, s12, s17, $0xb8;
	[tilespmem:$0x1E000] =	vst v63  }
0x7c: {  	_ =	swait.ge [sflag:s3], $0x2800  }
0x7d: {  	[sflag:s3] =	ssyncset.done $0x0  }
0x7e: {  	s12 =	sadd.s32 $0x460, s11;
	[sflag:s3] =	ssyncadd.s32 $0xFFFFD800  }
0x7f: {  	[tilespmem:s22], [sflag:$0x4] =	stream.indirect.gather [hbm4b:s4+s17], $0x40, s12, s17, $0xb8;
	[tilespmem:$0x1E000] =	vst v63  }
0x80: {  	_ =	swait.ge [sflag:s23], $0x2800  }
0x81: {  	[sflag:s23] =	ssyncset.done $0x0  }
0x82: {  	s12 =	sadd.s32 $0x5280, s11;
	[sflag:s23] =	ssyncadd.s32 $0xFFFFD800  }
0x83: {  	[spmem:s2] =	stream.indirect.scatter.add.f32 [tilespmem:s16], [sflag:$0x5], $0x40, s12, s17, $0xb8;
	[tilespmem:$0x1E000] =	vst v63  }
0x84: {  	_ =	swait.ge [sflag:s24], $0x2800  }
0x85: {  	[sflag:s24] =	ssyncset.done $0x0  }
0x86: {  	s12 =	sadd.s32 $0x5320, s11;
	[sflag:s24] =	ssyncadd.s32 $0xFFFFD800  }
0x87: {  	[spmem:s2] =	stream.indirect.scatter.add.f32 [tilespmem:s18], [sflag:$0x6], $0x40, s12, s17, $0xb8;
	[tilespmem:$0x1E000] =	vst v63  }
0x88: {  	_ =	swait.ge [sflag:s26], $0x2800  }
0x89: {  	[sflag:s26] =	ssyncset.done $0x0  }
.Ltmp1:
0x8a: {  	s12 =	sadd.s32 $0x53C0, s11;
	[sflag:s26] =	ssyncadd.s32 $0xFFFFD800;
	(pc) =	sbr.rel @p0 .LBB2_4-.Ltmp1, $4  }
0x8b: {  	[spmem:s2] =	stream.indirect.scatter.add.f32 [tilespmem:s20], [sflag:$0x7], $0x40, s12, s17, $0xb8;
	[tilespmem:$0x1E000] =	vst v63  }
0x8c: {  	_ =	swait.ge [sflag:s29], $0x2800  }
0x8d: {  	[sflag:s29] =	ssyncset.done $0x0  }
0x8e: {  	s11 =	sadd.s32 $0x5460, s11;
	[sflag:s29] =	ssyncadd.s32 $0xFFFFD800  }
0x8f: {  	[spmem:s2] =	stream.indirect.scatter.add.f32 [tilespmem:s22], [sflag:$0x8], $0x40, s11, s17, $0xb8;
	[tilespmem:$0x1E000] =	vst v63  }
0x90: {  	_ =	swait.ge [sflag:s31], $0x2800  }
0x91: {  	[sflag:s31] =	ssyncset.done $0x0  }
0x92: {  	[sflag:s31] =	ssyncadd.s32 $0xFFFFD800  }
0x93: {  	_ =	swait.ge [sflag:s1], $0x2800  }
0x94: {  	[sflag:s1] =	ssyncset.done $0x0  }
0x95: {  	[sflag:s1] =	ssyncadd.s32 $0xFFFFD800  }
0x96: {  	_ =	swait.ge [sflag:s0], $0x2800  }
0x97: {  	[sflag:s0] =	ssyncset.done $0x0  }
0x98: {  	[sflag:s0] =	ssyncadd.s32 $0xFFFFD800  }
0x99: {  	_ =	swait.ge [sflag:s3], $0x2800  }
0x9a: {  	[sflag:s3] =	ssyncset.done $0x0  }
0x9b: {  	s6 =	stileid.u32;
	[sflag:s3] =	ssyncadd.s32 $0xFFFFD800  }
0x9c: {  	s6 =	sshll.u32 s6, $0x6;
	[bflag:$0x0] =	sbarrier.arrive $0xFFFF  }
0x9d: {  	s19 =	sshrl.u32 s7, $0x3;
	s6 =	sor.u32 $0x1C09, s6;
	s21 =	rddreg [dreg:$0x6]  }
0x9e: {  	[hbm:s21], [sflag:s6] =	dma.local [spmem:s19], $0x1400  }
0x9f: {  	_ =	swait.ge [sflag:s14], $0x1400  }
0xa0: {  	[sflag:s14] =	ssyncset.done $0x0  }
0xa1: {  	s12 =	simm.s32 $0x100;
	s11 =	simm.s32 $0x0;
	[sflag:s14] =	ssyncadd.s32 $0xFFFFEC00  }
.LBB2_6:
0xa2: {  	p0 =	sne.s32 s12, $0x9F00;
	[tilespmem:s11+$0xA030] =	vst v0;
	s21 =	smov.u32 s12;
	s12 =	sadd.s32 $0x100, s12  }
.Ltmp2:
0xa3: {  	[tilespmem:s11+$0xA020] =	vst v0;
	(pc) =	sbr.rel @p0 .LBB2_6-.Ltmp2, $3  }
0xa4: {  	[tilespmem:s11+$0xA000] =	vst v0  }
0xa5: {  	[tilespmem:s11+$0xA010] =	vst v0;
	_ =	sdelay $0x1  }
0xa6: {  	s11 =	sshra.s32 s21, $0x2  }
0xa7: {  	[tilespmem:s11+$0xA030] =	vst v0  }
0xa8: {  	[tilespmem:s11+$0xA020] =	vst v0  }
0xa9: {  	[tilespmem:s11+$0xA000] =	vst v0  }
0xaa: {  	[tilespmem:s11+$0xA010] =	vst v0  }
0xab: {  	[spmem:s7] =	stream.linear.scatter [tilespmem:s16], [sflag:$0x9], $0x2800, $0x38;
	[tilespmem:$0x1E000] =	vst v63  }
0xac: {  	_ =	swait.ge [sflag:s14], $0x2800  }
0xad: {  	[sflag:s14] =	ssyncset.done $0x0  }
0xae: {  	[sflag:s14] =	ssyncadd.s32 $0xFFFFD800  }
0xaf: {  	[spmem:s8] =	stream.linear.scatter [tilespmem:s16], [sflag:$0x9], $0x2800, $0x38;
	[tilespmem:$0x1E000] =	vst v63  }
0xb0: {  	_ =	swait.ge [sflag:s14], $0x2800  }
0xb1: {  	[sflag:s14] =	ssyncset.done $0x0  }
0xb2: {  	[sflag:s14] =	ssyncadd.s32 $0xFFFFD800  }
0xb3: {  	[spmem:s9] =	stream.linear.scatter [tilespmem:s16], [sflag:$0x9], $0x2800, $0x38;
	[tilespmem:$0x1E000] =	vst v63  }
0xb4: {  	_ =	swait.ge [sflag:s14], $0x2800  }
0xb5: {  	[sflag:s14] =	ssyncset.done $0x0  }
0xb6: {  	[sflag:s14] =	ssyncadd.s32 $0xFFFFD800  }
0xb7: {  	[spmem:s10] =	stream.linear.scatter [tilespmem:s16], [sflag:$0x9], $0x2800, $0x38;
	[tilespmem:$0x1E000] =	vst v63  }
0xb8: {  	_ =	swait.ge [sflag:s14], $0x2800  }
0xb9: {  	[sflag:s14] =	ssyncset.done $0x0  }
0xba: {  	s11 =	simm.s32 $0x0;
	[sflag:s14] =	ssyncadd.s32 $0xFFFFD800  }
0xbb: {  	v1 =	vld [tilespmem:s11+$0x0]  }
0xbc: {  	v3 =	vld [tilespmem:s11+$0x10]  }
0xbd: {  	v4 =	vld [tilespmem:s11+$0x20]  }
0xbe: {  	v5 =	vld [tilespmem:s11+$0x30]  }
0xbf: {  	v2 =	vld [tilespmem:s11+$0x40]  }
0xc0: {  	v6 =	vadd.s32 $0x1, v1;
	v1 =	vld [tilespmem:s11+$0x50]  }
0xc1: {  	[tilespmem:s11+$0x0] =	vst v6;
	v6 =	vadd.s32 $0x1, v3;
	v3 =	vld [tilespmem:s11+$0x60]  }
0xc2: {  	[tilespmem:s11+$0x10] =	vst v6;
	v6 =	vadd.s32 $0x1, v4;
	v4 =	vld [tilespmem:s11+$0x70]  }
0xc3: {  	s12 =	simm.s32 $0x280;
	[tilespmem:s11+$0x20] =	vst v6;
	v6 =	vadd.s32 $0x1, v5;
	v5 =	vld [tilespmem:s11+$0x80]  }
.LBB2_8:
0xc4: {  	s21 =	sshra.s32 s12, $0x2;
	p0 =	sne.s32 s12, $0x13D80;
	[tilespmem:s11+$0x30] =	vst v6;
	v2 =	vadd.s32 $0x1, v2;
	v6 =	vld [tilespmem:s11+$0x90]  }
0xc5: {  	v7 =	vld [tilespmem:s21+$0x0];
	[tilespmem:s11+$0x40] =	vst v2;
	v1 =	vadd.s32 $0x1, v1  }
0xc6: {  	v8 =	vld [tilespmem:s21+$0x10];
	[tilespmem:s11+$0x50] =	vst v1;
	v1 =	vadd.s32 $0x1, v3  }
0xc7: {  	v9 =	vld [tilespmem:s21+$0x20];
	[tilespmem:s11+$0x60] =	vst v1;
	v1 =	vadd.s32 $0x1, v4  }
0xc8: {  	v10 =	vld [tilespmem:s21+$0x30];
	[tilespmem:s11+$0x70] =	vst v1;
	v1 =	vadd.s32 $0x1, v5  }
.Ltmp3:
0xc9: {  	v2 =	vld [tilespmem:s21+$0x40];
	[tilespmem:s11+$0x80] =	vst v1;
	v3 =	vadd.s32 $0x1, v6;
	(pc) =	sbr.rel @p0 .LBB2_8-.Ltmp3, $4  }
0xca: {  	v4 =	vadd.s32 $0x1, v7;
	v1 =	vld [tilespmem:s21+$0x50];
	[tilespmem:s11+$0x90] =	vst v3;
	s11 =	smov.u32 s21  }
0xcb: {  	[tilespmem:s11+$0x0] =	vst v4;
	v4 =	vadd.s32 $0x1, v8;
	v3 =	vld [tilespmem:s11+$0x60]  }
0xcc: {  	[tilespmem:s11+$0x10] =	vst v4;
	v5 =	vadd.s32 $0x1, v9;
	v4 =	vld [tilespmem:s11+$0x70]  }
0xcd: {  	s12 =	sadd.s32 $0x280, s12;
	[tilespmem:s11+$0x20] =	vst v5;
	v6 =	vadd.s32 $0x1, v10;
	v5 =	vld [tilespmem:s11+$0x80]  }
0xce: {  	[tilespmem:s11+$0x30] =	vst v6;
	v2 =	vadd.s32 $0x1, v2;
	v63 =	vld [tilespmem:s11+$0x90]  }
0xcf: {  	[tilespmem:s11+$0x40] =	vst v2;
	v1 =	vadd.s32 $0x1, v1  }
0xd0: {  	[tilespmem:s11+$0x50] =	vst v1;
	v1 =	vadd.s32 $0x1, v3  }
0xd1: {  	[tilespmem:s11+$0x60] =	vst v1;
	v1 =	vadd.s32 $0x1, v4  }
0xd2: {  	[tilespmem:s11+$0x70] =	vst v1;
	v1 =	vadd.s32 $0x1, v5  }
0xd3: {  	[tilespmem:s11+$0x80] =	vst v1;
	v1 =	vadd.s32 $0x1, v63  }
0xd4: {  	[tilespmem:s11+$0x90] =	vst v1  }
0xd5: {  	s12 =	simm.s32 $0x0;
	[bflag:$0x0] =	sbarrier.arrive $0xFFFF  }
0xd6: {  	[tilespmem:s16], [sflag:$0x1] =	stream.indirect.gather [hbm4b:s4+s17], $0x40, s12, s17, $0xb8;
	[tilespmem:$0x1E000] =	vst v63  }
0xd7: {  	_ = 	snop  }
0xd8: {  	[tilespmem:s18], [sflag:$0x2] =	stream.indirect.gather [hbm4b:s4+s17], $0x40, s17, s17, $0xb8;
	[tilespmem:$0x1E000] =	vst v63  }
0xd9: {  	s21 =	simm.s32 $0x140  }
0xda: {  	[tilespmem:s20], [sflag:$0x3] =	stream.indirect.gather [hbm4b:s4+s17], $0x40, s21, s17, $0xb8;
	[tilespmem:$0x1E000] =	vst v63  }
0xdb: {  	s12 =	simm.s32 $0x1E0  }
0xdc: {  	[tilespmem:s22], [sflag:$0x4] =	stream.indirect.gather [hbm4b:s4+s17], $0x40, s12, s17, $0xb8;
	[tilespmem:$0x1E000] =	vst v63  }
0xdd: {  	_ =	swait.ge [sflag:s23], $0x2800  }
0xde: {  	[sflag:s23] =	ssyncset.done $0x0  }
0xdf: {  	[sflag:s23] =	ssyncadd.s32 $0xFFFFD800  }
0xe0: {  	[spmem:s2] =	stream.indirect.scatter.add.f32 [tilespmem:s16], [sflag:$0x5], $0x40, s15, s17, $0xb8;
	[tilespmem:$0x1E000] =	vst v63  }
0xe1: {  	_ =	swait.ge [sflag:s24], $0x2800  }
0xe2: {  	[sflag:s24] =	ssyncset.done $0x0  }
0xe3: {  	[sflag:s24] =	ssyncadd.s32 $0xFFFFD800  }
0xe4: {  	[spmem:s2] =	stream.indirect.scatter.add.f32 [tilespmem:s18], [sflag:$0x6], $0x40, s25, s17, $0xb8;
	[tilespmem:$0x1E000] =	vst v63  }
0xe5: {  	_ =	swait.ge [sflag:s26], $0x2800  }
0xe6: {  	[sflag:s26] =	ssyncset.done $0x0  }
0xe7: {  	[sflag:s26] =	ssyncadd.s32 $0xFFFFD800  }
0xe8: {  	[spmem:s2] =	stream.indirect.scatter.add.f32 [tilespmem:s20], [sflag:$0x7], $0x40, s28, s17, $0xb8;
	[tilespmem:$0x1E000] =	vst v63  }
0xe9: {  	_ =	swait.ge [sflag:s29], $0x2800  }
0xea: {  	[sflag:s29] =	ssyncset.done $0x0  }
0xeb: {  	[sflag:s29] =	ssyncadd.s32 $0xFFFFD800  }
0xec: {  	[spmem:s2] =	stream.indirect.scatter.add.f32 [tilespmem:s22], [sflag:$0x8], $0x40, s30, s17, $0xb8;
	[tilespmem:$0x1E000] =	vst v63  }
0xed: {  	_ =	swait.ge [sflag:s31], $0x2800  }
0xee: {  	[sflag:s31] =	ssyncset.done $0x0  }
0xef: {  	s21 =	simm.s32 $0x280;
	[sflag:s31] =	ssyncadd.s32 $0xFFFFD800  }
0xf0: {  	[tilespmem:s16], [sflag:$0x1] =	stream.indirect.gather [hbm4b:s4+s17], $0x40, s21, s17, $0xb8;
	[tilespmem:$0x1E000] =	vst v63  }
0xf1: {  	_ =	swait.ge [sflag:s1], $0x2800  }
0xf2: {  	[sflag:s1] =	ssyncset.done $0x0  }
0xf3: {  	s12 =	simm.s32 $0x320;
	[sflag:s1] =	ssyncadd.s32 $0xFFFFD800  }
0xf4: {  	[tilespmem:s18], [sflag:$0x2] =	stream.indirect.gather [hbm4b:s4+s17], $0x40, s12, s17, $0xb8;
	[tilespmem:$0x1E000] =	vst v63  }
0xf5: {  	_ =	swait.ge [sflag:s0], $0x2800  }
0xf6: {  	[sflag:s0] =	ssyncset.done $0x0  }
0xf7: {  	s21 =	simm.s32 $0x3C0;
	[sflag:s0] =	ssyncadd.s32 $0xFFFFD800  }
0xf8: {  	[tilespmem:s20], [sflag:$0x3] =	stream.indirect.gather [hbm4b:s4+s17], $0x40, s21, s17, $0xb8;
	[tilespmem:$0x1E000] =	vst v63  }
0xf9: {  	_ =	swait.ge [sflag:s3], $0x2800  }
0xfa: {  	[sflag:s3] =	ssyncset.done $0x0  }
0xfb: {  	s12 =	simm.s32 $0x460;
	[sflag:s3] =	ssyncadd.s32 $0xFFFFD800  }
0xfc: {  	[tilespmem:s22], [sflag:$0x4] =	stream.indirect.gather [hbm4b:s4+s17], $0x40, s12, s17, $0xb8;
	[tilespmem:$0x1E000] =	vst v63  }
0xfd: {  	_ =	swait.ge [sflag:s23], $0x2800  }
0xfe: {  	[sflag:s23] =	ssyncset.done $0x0  }
0xff: {  	s21 =	simm.s32 $0x5280;
	[sflag:s23] =	ssyncadd.s32 $0xFFFFD800  }
0x100: {  	[spmem:s2] =	stream.indirect.scatter.add.f32 [tilespmem:s16], [sflag:$0x5], $0x40, s21, s17, $0xb8;
	[tilespmem:$0x1E000] =	vst v63  }
0x101: {  	_ =	swait.ge [sflag:s24], $0x2800  }
0x102: {  	[sflag:s24] =	ssyncset.done $0x0  }
0x103: {  	s12 =	simm.s32 $0x5320;
	[sflag:s24] =	ssyncadd.s32 $0xFFFFD800  }
0x104: {  	[spmem:s2] =	stream.indirect.scatter.add.f32 [tilespmem:s18], [sflag:$0x6], $0x40, s12, s17, $0xb8;
	[tilespmem:$0x1E000] =	vst v63  }
0x105: {  	_ =	swait.ge [sflag:s26], $0x2800  }
0x106: {  	[sflag:s26] =	ssyncset.done $0x0  }
0x107: {  	s21 =	simm.s32 $0x53C0;
	[sflag:s26] =	ssyncadd.s32 $0xFFFFD800  }
0x108: {  	[spmem:s2] =	stream.indirect.scatter.add.f32 [tilespmem:s20], [sflag:$0x7], $0x40, s21, s17, $0xb8;
	[tilespmem:$0x1E000] =	vst v63  }
0x109: {  	_ =	swait.ge [sflag:s29], $0x2800  }
0x10a: {  	[sflag:s29] =	ssyncset.done $0x0  }
0x10b: {  	s11 =	simm.s32 $0xA00;
	s12 =	simm.s32 $0x5460;
	[sflag:s29] =	ssyncadd.s32 $0xFFFFD800  }
.LBB2_10:
0x10c: {  	[spmem:s2] =	stream.indirect.scatter.add.f32 [tilespmem:s22], [sflag:$0x8], $0x40, s12, s17, $0xb8;
	[tilespmem:$0x1E000] =	vst v63  }
0x10d: {  	s12 =	smov.u32 s11  }
0x10e: {  	p0 =	sne.s32 s11, $0x12C00;
	s11 =	sadd.s32 $0xA00, s11;
	_ =	swait.ge [sflag:s31], $0x2800  }
0x10f: {  	s12 =	sshra.s32 s12, $0x2;
	[sflag:s31] =	ssyncset.done $0x0  }
0x110: {  	s21 =	sadd.s32 $0x280, s12;
	[sflag:s31] =	ssyncadd.s32 $0xFFFFD800  }
0x111: {  	[tilespmem:s16], [sflag:$0x1] =	stream.indirect.gather [hbm4b:s4+s17], $0x40, s21, s17, $0xb8;
	[tilespmem:$0x1E000] =	vst v63  }
0x112: {  	_ =	swait.ge [sflag:s1], $0x2800  }
0x113: {  	[sflag:s1] =	ssyncset.done $0x0  }
0x114: {  	s21 =	sadd.s32 $0x320, s12;
	[sflag:s1] =	ssyncadd.s32 $0xFFFFD800  }
0x115: {  	[tilespmem:s18], [sflag:$0x2] =	stream.indirect.gather [hbm4b:s4+s17], $0x40, s21, s17, $0xb8;
	[tilespmem:$0x1E000] =	vst v63  }
0x116: {  	_ =	swait.ge [sflag:s0], $0x2800  }
0x117: {  	[sflag:s0] =	ssyncset.done $0x0  }
0x118: {  	s21 =	sadd.s32 $0x3C0, s12;
	[sflag:s0] =	ssyncadd.s32 $0xFFFFD800  }
0x119: {  	[tilespmem:s20], [sflag:$0x3] =	stream.indirect.gather [hbm4b:s4+s17], $0x40, s21, s17, $0xb8;
	[tilespmem:$0x1E000] =	vst v63  }
0x11a: {  	_ =	swait.ge [sflag:s3], $0x2800  }
0x11b: {  	[sflag:s3] =	ssyncset.done $0x0  }
0x11c: {  	s21 =	sadd.s32 $0x460, s12;
	[sflag:s3] =	ssyncadd.s32 $0xFFFFD800  }
0x11d: {  	[tilespmem:s22], [sflag:$0x4] =	stream.indirect.gather [hbm4b:s4+s17], $0x40, s21, s17, $0xb8;
	[tilespmem:$0x1E000] =	vst v63  }
0x11e: {  	_ =	swait.ge [sflag:s23], $0x2800  }
0x11f: {  	[sflag:s23] =	ssyncset.done $0x0  }
0x120: {  	s21 =	sadd.s32 $0x5280, s12;
	[sflag:s23] =	ssyncadd.s32 $0xFFFFD800  }
0x121: {  	[spmem:s2] =	stream.indirect.scatter.add.f32 [tilespmem:s16], [sflag:$0x5], $0x40, s21, s17, $0xb8;
	[tilespmem:$0x1E000] =	vst v63  }
0x122: {  	_ =	swait.ge [sflag:s24], $0x2800  }
0x123: {  	[sflag:s24] =	ssyncset.done $0x0  }
0x124: {  	s21 =	sadd.s32 $0x5320, s12;
	[sflag:s24] =	ssyncadd.s32 $0xFFFFD800  }
0x125: {  	[spmem:s2] =	stream.indirect.scatter.add.f32 [tilespmem:s18], [sflag:$0x6], $0x40, s21, s17, $0xb8;
	[tilespmem:$0x1E000] =	vst v63  }
0x126: {  	_ =	swait.ge [sflag:s26], $0x2800  }
0x127: {  	[sflag:s26] =	ssyncset.done $0x0  }
.Ltmp4:
0x128: {  	s21 =	sadd.s32 $0x53C0, s12;
	[sflag:s26] =	ssyncadd.s32 $0xFFFFD800;
	(pc) =	sbr.rel @p0 .LBB2_10-.Ltmp4, $4  }
0x129: {  	[spmem:s2] =	stream.indirect.scatter.add.f32 [tilespmem:s20], [sflag:$0x7], $0x40, s21, s17, $0xb8;
	[tilespmem:$0x1E000] =	vst v63  }
0x12a: {  	_ =	swait.ge [sflag:s29], $0x2800  }
0x12b: {  	[sflag:s29] =	ssyncset.done $0x0  }
0x12c: {  	s12 =	sadd.s32 $0x5460, s12;
	[sflag:s29] =	ssyncadd.s32 $0xFFFFD800  }
0x12d: {  	[spmem:s2] =	stream.indirect.scatter.add.f32 [tilespmem:s22], [sflag:$0x8], $0x40, s12, s17, $0xb8;
	[tilespmem:$0x1E000] =	vst v63  }
0x12e: {  	_ =	swait.ge [sflag:s31], $0x2800  }
0x12f: {  	[sflag:s31] =	ssyncset.done $0x0  }
0x130: {  	[sflag:s31] =	ssyncadd.s32 $0xFFFFD800  }
0x131: {  	_ =	swait.ge [sflag:s1], $0x2800  }
0x132: {  	[sflag:s1] =	ssyncset.done $0x0  }
0x133: {  	[sflag:s1] =	ssyncadd.s32 $0xFFFFD800  }
0x134: {  	_ =	swait.ge [sflag:s0], $0x2800  }
0x135: {  	[sflag:s0] =	ssyncset.done $0x0  }
0x136: {  	[sflag:s0] =	ssyncadd.s32 $0xFFFFD800  }
0x137: {  	_ =	swait.ge [sflag:s3], $0x2800  }
0x138: {  	[sflag:s3] =	ssyncset.done $0x0  }
0x139: {  	s5 =	sadd.s32 $0x1, s5;
	[sflag:s3] =	ssyncadd.s32 $0xFFFFD800  }
0x13a: {  	p0 =	sne.s32 s5, s13;
	[bflag:$0x0] =	sbarrier.arrive $0xFFFF  }
.Ltmp5:
0x13b: {  	s11 =	rddreg [dreg:$0x7];
	(pc) =	sbr.rel @p0 .LBB2_1-.Ltmp5, $4  }
0x13c: {  	[hbm:s11], [sflag:s6] =	dma.local [spmem:s19], $0x1400  }
0x13d: {  	_ =	swait.ge [sflag:s14], $0x1400  }
0x13e: {  	[sflag:s14] =	ssyncset.done $0x0  }
0x13f: {  	[sflag:s14] =	ssyncadd.s32 $0xFFFFEC00  }
0x140: {  	_ =	sfence.sel $0x180000  }
0x141: {  	[bflag:$0x0] =	sbarrier.arrive $0xFFFF  }
0x142: {  	_ =	strace $0x9000004A  }
0x143: {  	s0 =	stileid.u32;
	[bflag:$0x2] =	sbarrier.arrive $0xFFFF  }
0x144: {  	p0 =	sne.s32 s0, $0x0;
	s0 =	rddreg [dreg:$0x3]  }
0x145: {  	s0 =	sadd.s32 @!p0 $0x100000, s0  }
0x146: {  	[sflag:s0] =	ssyncadd.tile.s32 @!p0 $0x1;
	_ =	shalt  }
.Lfunc_end2:
_tile_overlayer_lowered:
.L_overlay_start_2:
0x147: {  	(tag) =	ssettag $0x2  }
0x148: {  	s0 =	rddreg [dreg:$0x0];
	s2 =	stileid.u32  }
0x149: {  	s1 =	rddreg [dreg:$0x1];
	p0 =	sne.s32 s2, $0x0  }
0x14a: {  	s3 =	rddreg [dreg:$0x2];
	[bflag:$0x3] =	sbarrier.arrive $0xFFFF;
	s2 =	simm.s32 @!p0 $0x1C09  }
0x14b: {  	[timem:s3], [sflag:s2] =	dma.local @!p0 [hbm:s0], s1  }
0x14c: {  	s0 =	simm.s32 @!p0 $0x9  }
0x14d: {  	_ =	swait.ge @!p0 [sflag:s0], s1  }
0x14e: {  	s1 =	ssub.s32 @!p0 $0x0, s1;
	[sflag:s0] =	ssyncset.done @!p0 $0x0  }
0x14f: {  	[sflag:s0] =	ssyncadd.s32 @!p0 s1  }
0x150: {  	[bflag:$0x3] =	sbarrier.arrive $0xFFFF  }
0x151: {  	_ =	shalt  }

</sc_bundles>
